<compile_context>
chip_gen: v7x
topology: tpu7x:2x2x1
jax: 0.10.2.dev20260603
libtpu: 0.0.44.dev20260713+nightly
codegen_flags: <defaults>
</compile_context>

<pallas_src>
import functools

import jax
import jax.numpy as jnp
from jax import lax
from jax.experimental import pallas as pl
from jax.experimental.pallas import tpu as pltpu
from jax.experimental.pallas import tpu_sc as plsc

_N = 10000
_E = 320000
_D_IN = 128
_HID = 64
_OUT = 32

_NC = 2
_NS = 16
_NW = _NC * _NS
_CH = 128
_CPAD = 2560
_NPAD = 10240
_RPT = _NPAD // _NS
_JPW = _CPAD // _NW
_DUMP = _N

_f32 = jnp.float32



def _sc_edge_body(nfeat, with_counts, *refs):
    if with_counts:
        (y_hbm, src_hbm, dst_hbm, zrow_hbm, z16_hbm, o16_hbm,
         sums_hbm, cnts_hbm, acc, cnt, sidx, didx, rows, onesv, sem) = refs
    else:
        (y_hbm, src_hbm, dst_hbm, zrow_hbm,
         sums_hbm, acc, sidx, didx, rows, sem) = refs

    c = lax.axis_index("c")
    s = lax.axis_index("s")
    wid = s * _NC + c

    pltpu.sync_copy(zrow_hbm, rows)
    if with_counts:
        pltpu.sync_copy(z16_hbm, onesv)
    for k in range(_RPT // _CH):
        r0 = s * _RPT + k * _CH
        pltpu.sync_copy(rows, acc.at[pl.ds(r0, _CH)])
        if with_counts:
            pltpu.sync_copy(onesv, cnt.at[pl.ds(r0, _CH)])
    if with_counts:
        pltpu.sync_copy(o16_hbm, onesv)

    start = _JPW * wid
    pltpu.sync_copy(src_hbm.at[pl.ds(start, _JPW)], sidx)
    pltpu.sync_copy(dst_hbm.at[pl.ds(start, _JPW)], didx)

    plsc.subcore_barrier()

    def chunk(t, carry):
        pltpu.async_copy(y_hbm.at[sidx.at[t]], rows, sem).wait()
        pltpu.sync_copy(rows, acc.at[didx.at[t]], add=True)
        if with_counts:
            pltpu.sync_copy(onesv, cnt.at[didx.at[t]], add=True)
        return carry

    lax.fori_loop(0, _JPW, chunk, 0)

    plsc.subcore_barrier()

    for k in range(_RPT // _CH):
        r0 = s * _RPT + k * _CH
        pltpu.sync_copy(acc.at[pl.ds(r0, _CH)], rows)
        pltpu.sync_copy(rows, sums_hbm.at[pl.ds(c * _NPAD + r0, _CH)])
        if with_counts:
            pltpu.sync_copy(cnt.at[pl.ds(r0, _CH)], onesv)
            pltpu.sync_copy(onesv, cnts_hbm.at[pl.ds(c * _NPAD + r0, _CH)])


def _make_sc_layer1():
    mesh = plsc.VectorSubcoreMesh(core_axis_name="c", subcore_axis_name="s")
    return pl.kernel(
        functools.partial(_sc_edge_body, _HID, True),
        compiler_params=pltpu.CompilerParams(use_tc_tiling_on_sc=False),
        out_type=(
            jax.ShapeDtypeStruct((_NC * _NPAD, _HID), _f32),
            jax.ShapeDtypeStruct((_NC * _NPAD, 16), _f32),
        ),
        mesh=mesh,
        scratch_types=[
            pltpu.VMEM_SHARED((_NPAD, _HID), _f32),
            pltpu.VMEM_SHARED((_NPAD, 16), _f32),
            pltpu.VMEM((_JPW, _CH), jnp.int32),
            pltpu.VMEM((_JPW, _CH), jnp.int32),
            pltpu.VMEM((_CH, _HID), _f32),
            pltpu.VMEM((_CH, 16), _f32),
            pltpu.SemaphoreType.DMA,
        ],
    )


def _make_sc_layer2():
    mesh = plsc.VectorSubcoreMesh(core_axis_name="c", subcore_axis_name="s")
    return pl.kernel(
        functools.partial(_sc_edge_body, _OUT, False),
        compiler_params=pltpu.CompilerParams(use_tc_tiling_on_sc=False),
        out_type=jax.ShapeDtypeStruct((_NC * _NPAD, _OUT), _f32),
        mesh=mesh,
        scratch_types=[
            pltpu.VMEM_SHARED((_NPAD, _OUT), _f32),
            pltpu.VMEM((_JPW, _CH), jnp.int32),
            pltpu.VMEM((_JPW, _CH), jnp.int32),
            pltpu.VMEM((_CH, _OUT), _f32),
            pltpu.SemaphoreType.DMA,
        ],
    )



def _tc_a_body(x_ref, w_ref, y_ref, r_ref):
    yr = jnp.dot(x_ref[...], w_ref[...].T, preferred_element_type=_f32)
    y_ref[...] = yr[:, :_HID]
    r_ref[...] = yr[:, _HID:]


def _tc_b_body(sums_ref, cnts_ref, r1_ref, bl1_ref, g1_ref, be1_ref, w2_ref,
               y2_ref, r2_ref):
    s = sums_ref[0:_N, :] + sums_ref[_NPAD:_NPAD + _N, :]
    cn = cnts_ref[0:_N, :] + cnts_ref[_NPAD:_NPAD + _N, :]
    c = jnp.maximum(cn[:, 0:1], 1.0)
    pre = s / c + bl1_ref[...] + r1_ref[...]
    mu = jnp.mean(pre, axis=0, keepdims=True)
    var = jnp.mean((pre - mu) * (pre - mu), axis=0, keepdims=True)
    h1 = jnp.maximum((pre - mu) * lax.rsqrt(var + 1e-5) * g1_ref[...]
                     + be1_ref[...], 0.0)
    yr2 = jnp.dot(h1, w2_ref[...].T, preferred_element_type=_f32)
    y2_ref[...] = yr2[:, :_OUT]
    r2_ref[...] = yr2[:, _OUT:]


def _tc_c_body(sums_ref, cnts_ref, r2_ref, bl2_ref, g2_ref, be2_ref,
               wn1_ref, bn1_ref, wn2_ref, bn2_ref, h_ref, risk_ref):
    s = sums_ref[0:_N, :] + sums_ref[_NPAD:_NPAD + _N, :]
    cn = cnts_ref[0:_N, :] + cnts_ref[_NPAD:_NPAD + _N, :]
    c = jnp.maximum(cn[:, 0:1], 1.0)
    pre = s / c + bl2_ref[...] + r2_ref[...]
    mu = jnp.mean(pre, axis=0, keepdims=True)
    var = jnp.mean((pre - mu) * (pre - mu), axis=0, keepdims=True)
    h2 = jnp.maximum((pre - mu) * lax.rsqrt(var + 1e-5) * g2_ref[...]
                     + be2_ref[...], 0.0)
    h_ref[...] = h2
    z = jnp.maximum(jnp.dot(h2, wn1_ref[...].T, preferred_element_type=_f32)
                    + bn1_ref[...], 0.0)
    logit = jnp.sum(z * wn2_ref[...], axis=1, keepdims=True) + bn2_ref[...]
    risk_ref[...] = jax.nn.sigmoid(logit)


def _tc_a(x, w1cat):
    return pl.pallas_call(
        _tc_a_body,
        out_shape=(
            jax.ShapeDtypeStruct((_N, _HID), _f32),
            jax.ShapeDtypeStruct((_N, _HID), _f32),
        ),
    )(x, w1cat)


def _tc_b(sums, cnts, r1, bl1, g1, be1, w2cat):
    return pl.pallas_call(
        _tc_b_body,
        out_shape=(
            jax.ShapeDtypeStruct((_N, _OUT), _f32),
            jax.ShapeDtypeStruct((_N, _OUT), _f32),
        ),
    )(sums, cnts, r1, bl1, g1, be1, w2cat)


def _tc_c(sums, cnts, r2, bl2, g2, be2, wn1, bn1, wn2, bn2):
    return pl.pallas_call(
        _tc_c_body,
        out_shape=(
            jax.ShapeDtypeStruct((_N, _OUT), _f32),
            jax.ShapeDtypeStruct((_N, 1), _f32),
        ),
    )(sums, cnts, r2, bl2, g2, be2, wn1, bn1, wn2, bn2)



@jax.jit
def _run(x, edge_index, W_l1, b_l1, W_r1, g1, be1, W_l2, b_l2, W_r2, g2, be2,
         Wn1, bn1, Wn2, bn2):
    pad = _CPAD * _CH - _E
    src2d = jnp.concatenate(
        [edge_index[0], jnp.zeros((pad,), jnp.int32)]).reshape(_CPAD, _CH)
    dst2d = jnp.concatenate(
        [edge_index[1], jnp.full((pad,), _DUMP, jnp.int32)]).reshape(_CPAD, _CH)

    zrow1 = jnp.zeros((_CH, _HID), _f32)
    z16 = jnp.zeros((_CH, 16), _f32)
    o16 = jnp.ones((_CH, 16), _f32)
    zrow2 = jnp.zeros((_CH, _OUT), _f32)

    w1cat = jnp.concatenate([W_l1, W_r1], axis=0)
    w2cat = jnp.concatenate([W_l2, W_r2], axis=0)

    y1, r1 = _tc_a(x, w1cat)

    sums1, cnts = _make_sc_layer1()(y1, src2d, dst2d, zrow1, z16, o16)

    y2, r2 = _tc_b(sums1, cnts, r1,
                   b_l1.reshape(1, _HID), g1.reshape(1, _HID),
                   be1.reshape(1, _HID), w2cat)

    sums2 = _make_sc_layer2()(y2, src2d, dst2d, zrow2)

    h, risk2d = _tc_c(sums2, cnts, r2,
                      b_l2.reshape(1, _OUT), g2.reshape(1, _OUT),
                      be2.reshape(1, _OUT),
                      Wn1, bn1.reshape(1, 16), Wn2, bn2.reshape(1, 1))
    return h, risk2d[:, 0]


def kernel(x, edge_index, W_l1, b_l1, W_r1, g1, be1, W_l2, b_l2, W_r2, g2,
           be2, Wn1, bn1, Wn2, bn2):
    return _run(x, edge_index, W_l1, b_l1, W_r1, g1, be1, W_l2, b_l2, W_r2,
                g2, be2, Wn1, bn1, Wn2, bn2)

# --- scband reference (transcript-rebuilt; emitter-appended) ---
"""Pipeline reference for scband-supplier-graph-sage-47614007443729 (READ-ONLY COPY).

The authoritative reference and input builder live on the scoring server;
editing this copy changes nothing except your own understanding.
"""

import jax, jax.numpy as jnp
import numpy as np

N = 10000
E = 320000
D_IN = 128
HID = 64
OUT = 32


def setup_inputs(seed: int = 0):
    key = jax.random.key(seed)
    ks = jax.random.split(key, 10)
    x = jax.random.normal(ks[0], (N, D_IN), dtype=jnp.float32)
    edge_index = jax.random.randint(ks[1], (2, E), 0, N, dtype=jnp.int32)

    def lin(k, o, i):
        return jax.random.normal(k, (o, i), dtype=jnp.float32) * (1.0 / np.sqrt(i))

    return {
        "x": x,
        "edge_index": edge_index,
        "W_l1": lin(ks[2], HID, D_IN),
        "b_l1": jnp.zeros((HID,), jnp.float32),
        "W_r1": lin(ks[3], HID, D_IN),
        "g1": jnp.ones((HID,), jnp.float32),
        "be1": jnp.zeros((HID,), jnp.float32),
        "W_l2": lin(ks[4], OUT, HID),
        "b_l2": jnp.zeros((OUT,), jnp.float32),
        "W_r2": lin(ks[5], OUT, HID),
        "g2": jnp.ones((OUT,), jnp.float32),
        "be2": jnp.zeros((OUT,), jnp.float32),
        "Wn1": lin(ks[6], 16, OUT),
        "bn1": jnp.zeros((16,), jnp.float32),
        "Wn2": lin(ks[7], 1, 16),
        "bn2": jnp.zeros((1,), jnp.float32),
    }


def _sage(h, src, dst, W_l, b_l, W_r):
    # mean aggregation of source messages at destination nodes
    msg = h[src]
    s = jnp.zeros((N, h.shape[1]), h.dtype).at[dst].add(msg)
    c = jnp.zeros((N,), h.dtype).at[dst].add(1.0)
    mean = s / jnp.clip(c, 1.0)[:, None]
    return mean @ W_l.T + b_l + h @ W_r.T


def _bn(h, g, b, eps=1e-5):
    mu = jnp.mean(h, axis=0)
    var = jnp.var(h, axis=0)
    return (h - mu) / jnp.sqrt(var + eps) * g + b


def reference(x, edge_index, W_l1, b_l1, W_r1, g1, be1, W_l2, b_l2, W_r2, g2, be2, Wn1, bn1, Wn2, bn2):
    src = edge_index[0]
    dst = edge_index[1]
    # layer 1: SAGEConv(128->64) + BN + ReLU (shapes differ -> no skip)
    h = jax.nn.relu(_bn(_sage(x, src, dst, W_l1, b_l1, W_r1), g1, be1))
    # layer 2: SAGEConv(64->32) + BN + ReLU (shapes differ -> no skip)
    h = jax.nn.relu(_bn(_sage(h, src, dst, W_l2, b_l2, W_r2), g2, be2))
    # node classifier head
    risk = jax.nn.sigmoid(jax.nn.relu(h @ Wn1.T + bn1) @ Wn2.T + bn2)[:, 0]
    return (h, risk)

if __name__ == "__main__":
    import jax
    _d = setup_inputs()
    print(jax.jit(kernel)(*tuple(_d.values())))

</pallas_src>

<mosaic_0001>
#map = affine_map<(d0, d1) -> (0, 0)>
module attributes {stable_mosaic.version = 14 : i64} {
  func.func @_sc_edge_body(%arg0: i32, %arg1: i32, %arg2: memref<10000x64xf32, #tpu.memory_space<hbm>>, %arg3: memref<2560x128xi32, #tpu.memory_space<hbm>>, %arg4: memref<2560x128xi32, #tpu.memory_space<hbm>>, %arg5: memref<128x64xf32, #tpu.memory_space<hbm>>, %arg6: memref<128x16xf32, #tpu.memory_space<hbm>>, %arg7: memref<128x16xf32, #tpu.memory_space<hbm>>, %arg8: memref<20480x64xf32, #tpu.memory_space<hbm>>, %arg9: memref<20480x16xf32, #tpu.memory_space<hbm>>, %arg10: memref<10240x64xf32, #tpu.memory_space<vmem_shared>>, %arg11: memref<10240x16xf32, #tpu.memory_space<vmem_shared>>, %arg12: memref<80x128xi32, #tpu.memory_space<vmem>>, %arg13: memref<80x128xi32, #tpu.memory_space<vmem>>, %arg14: memref<128x64xf32, #tpu.memory_space<vmem>>, %arg15: memref<128x16xf32, #tpu.memory_space<vmem>>, %arg16: memref<!tpu.dma_semaphore, #tpu.memory_space<semaphore_mem>>) attributes {dimension_semantics = [#tpu.dimension_semantics<core_parallel>, #tpu.dimension_semantics<subcore_parallel>], iteration_bounds = array<i64: 2, 16>, scalar_prefetch = 0 : i64, scratch_operands = 7 : i64, tpu.core_type = #tpu.core_type<sc_vector_subcore>, window_params = [{transform_indices = #map}, {transform_indices = #map}, {transform_indices = #map}, {transform_indices = #map}, {transform_indices = #map}, {transform_indices = #map}, {transform_indices = #map}, {transform_indices = #map}]} {
    %mul3A = arith.constant 2 : i32
    %mul3A_0 = arith.muli %arg1, %mul3A : i32
    %add3A = arith.addi %mul3A_0, %arg0 : i32
    "tpu.region"() ({
      %run_scoped3A = tpu.sem_alloc : memref<!tpu.dma_semaphore, #tpu.memory_space<semaphore_mem>>
      tpu.enqueue_dma source(%arg5 : memref<128x64xf32, #tpu.memory_space<hbm>>) target(%arg14 : memref<128x64xf32, #tpu.memory_space<vmem>>) target_semaphore(%run_scoped3A : memref<!tpu.dma_semaphore, #tpu.memory_space<semaphore_mem>>)
      tpu.wait_dma2 semaphore(%run_scoped3A : memref<!tpu.dma_semaphore, #tpu.memory_space<semaphore_mem>>) src(%arg5 : memref<128x64xf32, #tpu.memory_space<hbm>>) dst(%arg14 : memref<128x64xf32, #tpu.memory_space<vmem>>)
      tpu.yield
    }) : () -> ()
    "tpu.region"() ({
      %run_scoped3A = tpu.sem_alloc : memref<!tpu.dma_semaphore, #tpu.memory_space<semaphore_mem>>
      tpu.enqueue_dma source(%arg6 : memref<128x16xf32, #tpu.memory_space<hbm>>) target(%arg15 : memref<128x16xf32, #tpu.memory_space<vmem>>) target_semaphore(%run_scoped3A : memref<!tpu.dma_semaphore, #tpu.memory_space<semaphore_mem>>)
      tpu.wait_dma2 semaphore(%run_scoped3A : memref<!tpu.dma_semaphore, #tpu.memory_space<semaphore_mem>>) src(%arg6 : memref<128x16xf32, #tpu.memory_space<hbm>>) dst(%arg15 : memref<128x16xf32, #tpu.memory_space<vmem>>)
      tpu.yield
    }) : () -> ()
    %mul3A_1 = arith.constant 640 : i32
    %mul3A_2 = arith.muli %arg1, %mul3A_1 : i32
    %add3A_3 = arith.constant 0 : i32
    %add3A_4 = arith.addi %mul3A_2, %add3A_3 : i32
    "tpu.region"() ({
      %run_scoped3A = tpu.sem_alloc : memref<!tpu.dma_semaphore, #tpu.memory_space<semaphore_mem>>
      %dma_start3A = arith.constant 0 : i32
      %dma_start3A_79 = tpu.memref_slice %arg10[%add3A_4, %dma_start3A] : memref<10240x64xf32, #tpu.memory_space<vmem_shared>> -> memref<128x64xf32, #tpu.memory_space<vmem_shared>>
      %dma_start3A_80 = arith.constant 0 : i32
      %dma_start3A_81 = tpu.memref_slice %arg10[%add3A_4, %dma_start3A_80] : memref<10240x64xf32, #tpu.memory_space<vmem_shared>> -> memref<128x64xf32, #tpu.memory_space<vmem_shared>>
      tpu.enqueue_dma source(%arg14 : memref<128x64xf32, #tpu.memory_space<vmem>>) target(%dma_start3A_81 : memref<128x64xf32, #tpu.memory_space<vmem_shared>>) target_semaphore(%run_scoped3A : memref<!tpu.dma_semaphore, #tpu.memory_space<semaphore_mem>>)
      %dma_wait3A = arith.constant 0 : i32
      %dma_wait3A_82 = tpu.memref_slice %arg10[%add3A_4, %dma_wait3A] : memref<10240x64xf32, #tpu.memory_space<vmem_shared>> -> memref<128x64xf32, #tpu.memory_space<vmem_shared>>
      %dma_wait3A_83 = arith.constant 0 : i32
      %dma_wait3A_84 = tpu.memref_slice %arg10[%add3A_4, %dma_wait3A_83] : memref<10240x64xf32, #tpu.memory_space<vmem_shared>> -> memref<128x64xf32, #tpu.memory_space<vmem_shared>>
      tpu.wait_dma2 semaphore(%run_scoped3A : memref<!tpu.dma_semaphore, #tpu.memory_space<semaphore_mem>>) src(%arg14 : memref<128x64xf32, #tpu.memory_space<vmem>>) dst(%dma_wait3A_84 : memref<128x64xf32, #tpu.memory_space<vmem_shared>>)
      tpu.yield
    }) : () -> ()
    "tpu.region"() ({
      %run_scoped3A = tpu.sem_alloc : memref<!tpu.dma_semaphore, #tpu.memory_space<semaphore_mem>>
      %dma_start3A = arith.constant 0 : i32
      %dma_start3A_79 = tpu.memref_slice %arg11[%add3A_4, %dma_start3A] : memref<10240x16xf32, #tpu.memory_space<vmem_shared>> -> memref<128x16xf32, #tpu.memory_space<vmem_shared>>
      %dma_start3A_80 = arith.constant 0 : i32
      %dma_start3A_81 = tpu.memref_slice %arg11[%add3A_4, %dma_start3A_80] : memref<10240x16xf32, #tpu.memory_space<vmem_shared>> -> memref<128x16xf32, #tpu.memory_space<vmem_shared>>
      tpu.enqueue_dma source(%arg15 : memref<128x16xf32, #tpu.memory_space<vmem>>) target(%dma_start3A_81 : memref<128x16xf32, #tpu.memory_space<vmem_shared>>) target_semaphore(%run_scoped3A : memref<!tpu.dma_semaphore, #tpu.memory_space<semaphore_mem>>)
      %dma_wait3A = arith.constant 0 : i32
      %dma_wait3A_82 = tpu.memref_slice %arg11[%add3A_4, %dma_wait3A] : memref<10240x16xf32, #tpu.memory_space<vmem_shared>> -> memref<128x16xf32, #tpu.memory_space<vmem_shared>>
      %dma_wait3A_83 = arith.constant 0 : i32
      %dma_wait3A_84 = tpu.memref_slice %arg11[%add3A_4, %dma_wait3A_83] : memref<10240x16xf32, #tpu.memory_space<vmem_shared>> -> memref<128x16xf32, #tpu.memory_space<vmem_shared>>
      tpu.wait_dma2 semaphore(%run_scoped3A : memref<!tpu.dma_semaphore, #tpu.memory_space<semaphore_mem>>) src(%arg15 : memref<128x16xf32, #tpu.memory_space<vmem>>) dst(%dma_wait3A_84 : memref<128x16xf32, #tpu.memory_space<vmem_shared>>)
      tpu.yield
    }) : () -> ()
    %mul3A_5 = arith.constant 640 : i32
    %mul3A_6 = arith.muli %arg1, %mul3A_5 : i32
    %add3A_7 = arith.constant 128 : i32
    %add3A_8 = arith.addi %mul3A_6, %add3A_7 : i32
    "tpu.region"() ({
      %run_scoped3A = tpu.sem_alloc : memref<!tpu.dma_semaphore, #tpu.memory_space<semaphore_mem>>
      %dma_start3A = arith.constant 0 : i32
      %dma_start3A_79 = tpu.memref_slice %arg10[%add3A_8, %dma_start3A] : memref<10240x64xf32, #tpu.memory_space<vmem_shared>> -> memref<128x64xf32, #tpu.memory_space<vmem_shared>>
      %dma_start3A_80 = arith.constant 0 : i32
      %dma_start3A_81 = tpu.memref_slice %arg10[%add3A_8, %dma_start3A_80] : memref<10240x64xf32, #tpu.memory_space<vmem_shared>> -> memref<128x64xf32, #tpu.memory_space<vmem_shared>>
      tpu.enqueue_dma source(%arg14 : memref<128x64xf32, #tpu.memory_space<vmem>>) target(%dma_start3A_81 : memref<128x64xf32, #tpu.memory_space<vmem_shared>>) target_semaphore(%run_scoped3A : memref<!tpu.dma_semaphore, #tpu.memory_space<semaphore_mem>>)
      %dma_wait3A = arith.constant 0 : i32
      %dma_wait3A_82 = tpu.memref_slice %arg10[%add3A_8, %dma_wait3A] : memref<10240x64xf32, #tpu.memory_space<vmem_shared>> -> memref<128x64xf32, #tpu.memory_space<vmem_shared>>
      %dma_wait3A_83 = arith.constant 0 : i32
      %dma_wait3A_84 = tpu.memref_slice %arg10[%add3A_8, %dma_wait3A_83] : memref<10240x64xf32, #tpu.memory_space<vmem_shared>> -> memref<128x64xf32, #tpu.memory_space<vmem_shared>>
      tpu.wait_dma2 semaphore(%run_scoped3A : memref<!tpu.dma_semaphore, #tpu.memory_space<semaphore_mem>>) src(%arg14 : memref<128x64xf32, #tpu.memory_space<vmem>>) dst(%dma_wait3A_84 : memref<128x64xf32, #tpu.memory_space<vmem_shared>>)
      tpu.yield
    }) : () -> ()
    "tpu.region"() ({
      %run_scoped3A = tpu.sem_alloc : memref<!tpu.dma_semaphore, #tpu.memory_space<semaphore_mem>>
      %dma_start3A = arith.constant 0 : i32
      %dma_start3A_79 = tpu.memref_slice %arg11[%add3A_8, %dma_start3A] : memref<10240x16xf32, #tpu.memory_space<vmem_shared>> -> memref<128x16xf32, #tpu.memory_space<vmem_shared>>
      %dma_start3A_80 = arith.constant 0 : i32
      %dma_start3A_81 = tpu.memref_slice %arg11[%add3A_8, %dma_start3A_80] : memref<10240x16xf32, #tpu.memory_space<vmem_shared>> -> memref<128x16xf32, #tpu.memory_space<vmem_shared>>
      tpu.enqueue_dma source(%arg15 : memref<128x16xf32, #tpu.memory_space<vmem>>) target(%dma_start3A_81 : memref<128x16xf32, #tpu.memory_space<vmem_shared>>) target_semaphore(%run_scoped3A : memref<!tpu.dma_semaphore, #tpu.memory_space<semaphore_mem>>)
      %dma_wait3A = arith.constant 0 : i32
      %dma_wait3A_82 = tpu.memref_slice %arg11[%add3A_8, %dma_wait3A] : memref<10240x16xf32, #tpu.memory_space<vmem_shared>> -> memref<128x16xf32, #tpu.memory_space<vmem_shared>>
      %dma_wait3A_83 = arith.constant 0 : i32
      %dma_wait3A_84 = tpu.memref_slice %arg11[%add3A_8, %dma_wait3A_83] : memref<10240x16xf32, #tpu.memory_space<vmem_shared>> -> memref<128x16xf32, #tpu.memory_space<vmem_shared>>
      tpu.wait_dma2 semaphore(%run_scoped3A : memref<!tpu.dma_semaphore, #tpu.memory_space<semaphore_mem>>) src(%arg15 : memref<128x16xf32, #tpu.memory_space<vmem>>) dst(%dma_wait3A_84 : memref<128x16xf32, #tpu.memory_space<vmem_shared>>)
      tpu.yield
    }) : () -> ()
    %mul3A_9 = arith.constant 640 : i32
    %mul3A_10 = arith.muli %arg1, %mul3A_9 : i32
    %add3A_11 = arith.constant 256 : i32
    %add3A_12 = arith.addi %mul3A_10, %add3A_11 : i32
    "tpu.region"() ({
      %run_scoped3A = tpu.sem_alloc : memref<!tpu.dma_semaphore, #tpu.memory_space<semaphore_mem>>
      %dma_start3A = arith.constant 0 : i32
      %dma_start3A_79 = tpu.memref_slice %arg10[%add3A_12, %dma_start3A] : memref<10240x64xf32, #tpu.memory_space<vmem_shared>> -> memref<128x64xf32, #tpu.memory_space<vmem_shared>>
      %dma_start3A_80 = arith.constant 0 : i32
      %dma_start3A_81 = tpu.memref_slice %arg10[%add3A_12, %dma_start3A_80] : memref<10240x64xf32, #tpu.memory_space<vmem_shared>> -> memref<128x64xf32, #tpu.memory_space<vmem_shared>>
      tpu.enqueue_dma source(%arg14 : memref<128x64xf32, #tpu.memory_space<vmem>>) target(%dma_start3A_81 : memref<128x64xf32, #tpu.memory_space<vmem_shared>>) target_semaphore(%run_scoped3A : memref<!tpu.dma_semaphore, #tpu.memory_space<semaphore_mem>>)
      %dma_wait3A = arith.constant 0 : i32
      %dma_wait3A_82 = tpu.memref_slice %arg10[%add3A_12, %dma_wait3A] : memref<10240x64xf32, #tpu.memory_space<vmem_shared>> -> memref<128x64xf32, #tpu.memory_space<vmem_shared>>
      %dma_wait3A_83 = arith.constant 0 : i32
      %dma_wait3A_84 = tpu.memref_slice %arg10[%add3A_12, %dma_wait3A_83] : memref<10240x64xf32, #tpu.memory_space<vmem_shared>> -> memref<128x64xf32, #tpu.memory_space<vmem_shared>>
      tpu.wait_dma2 semaphore(%run_scoped3A : memref<!tpu.dma_semaphore, #tpu.memory_space<semaphore_mem>>) src(%arg14 : memref<128x64xf32, #tpu.memory_space<vmem>>) dst(%dma_wait3A_84 : memref<128x64xf32, #tpu.memory_space<vmem_shared>>)
      tpu.yield
    }) : () -> ()
    "tpu.region"() ({
      %run_scoped3A = tpu.sem_alloc : memref<!tpu.dma_semaphore, #tpu.memory_space<semaphore_mem>>
      %dma_start3A = arith.constant 0 : i32
      %dma_start3A_79 = tpu.memref_slice %arg11[%add3A_12, %dma_start3A] : memref<10240x16xf32, #tpu.memory_space<vmem_shared>> -> memref<128x16xf32, #tpu.memory_space<vmem_shared>>
      %dma_start3A_80 = arith.constant 0 : i32
      %dma_start3A_81 = tpu.memref_slice %arg11[%add3A_12, %dma_start3A_80] : memref<10240x16xf32, #tpu.memory_space<vmem_shared>> -> memref<128x16xf32, #tpu.memory_space<vmem_shared>>
      tpu.enqueue_dma source(%arg15 : memref<128x16xf32, #tpu.memory_space<vmem>>) target(%dma_start3A_81 : memref<128x16xf32, #tpu.memory_space<vmem_shared>>) target_semaphore(%run_scoped3A : memref<!tpu.dma_semaphore, #tpu.memory_space<semaphore_mem>>)
      %dma_wait3A = arith.constant 0 : i32
      %dma_wait3A_82 = tpu.memref_slice %arg11[%add3A_12, %dma_wait3A] : memref<10240x16xf32, #tpu.memory_space<vmem_shared>> -> memref<128x16xf32, #tpu.memory_space<vmem_shared>>
      %dma_wait3A_83 = arith.constant 0 : i32
      %dma_wait3A_84 = tpu.memref_slice %arg11[%add3A_12, %dma_wait3A_83] : memref<10240x16xf32, #tpu.memory_space<vmem_shared>> -> memref<128x16xf32, #tpu.memory_space<vmem_shared>>
      tpu.wait_dma2 semaphore(%run_scoped3A : memref<!tpu.dma_semaphore, #tpu.memory_space<semaphore_mem>>) src(%arg15 : memref<128x16xf32, #tpu.memory_space<vmem>>) dst(%dma_wait3A_84 : memref<128x16xf32, #tpu.memory_space<vmem_shared>>)
      tpu.yield
    }) : () -> ()
    %mul3A_13 = arith.constant 640 : i32
    %mul3A_14 = arith.muli %arg1, %mul3A_13 : i32
    %add3A_15 = arith.constant 384 : i32
    %add3A_16 = arith.addi %mul3A_14, %add3A_15 : i32
    "tpu.region"() ({
      %run_scoped3A = tpu.sem_alloc : memref<!tpu.dma_semaphore, #tpu.memory_space<semaphore_mem>>
      %dma_start3A = arith.constant 0 : i32
      %dma_start3A_79 = tpu.memref_slice %arg10[%add3A_16, %dma_start3A] : memref<10240x64xf32, #tpu.memory_space<vmem_shared>> -> memref<128x64xf32, #tpu.memory_space<vmem_shared>>
      %dma_start3A_80 = arith.constant 0 : i32
      %dma_start3A_81 = tpu.memref_slice %arg10[%add3A_16, %dma_start3A_80] : memref<10240x64xf32, #tpu.memory_space<vmem_shared>> -> memref<128x64xf32, #tpu.memory_space<vmem_shared>>
      tpu.enqueue_dma source(%arg14 : memref<128x64xf32, #tpu.memory_space<vmem>>) target(%dma_start3A_81 : memref<128x64xf32, #tpu.memory_space<vmem_shared>>) target_semaphore(%run_scoped3A : memref<!tpu.dma_semaphore, #tpu.memory_space<semaphore_mem>>)
      %dma_wait3A = arith.constant 0 : i32
      %dma_wait3A_82 = tpu.memref_slice %arg10[%add3A_16, %dma_wait3A] : memref<10240x64xf32, #tpu.memory_space<vmem_shared>> -> memref<128x64xf32, #tpu.memory_space<vmem_shared>>
      %dma_wait3A_83 = arith.constant 0 : i32
      %dma_wait3A_84 = tpu.memref_slice %arg10[%add3A_16, %dma_wait3A_83] : memref<10240x64xf32, #tpu.memory_space<vmem_shared>> -> memref<128x64xf32, #tpu.memory_space<vmem_shared>>
      tpu.wait_dma2 semaphore(%run_scoped3A : memref<!tpu.dma_semaphore, #tpu.memory_space<semaphore_mem>>) src(%arg14 : memref<128x64xf32, #tpu.memory_space<vmem>>) dst(%dma_wait3A_84 : memref<128x64xf32, #tpu.memory_space<vmem_shared>>)
      tpu.yield
    }) : () -> ()
    "tpu.region"() ({
      %run_scoped3A = tpu.sem_alloc : memref<!tpu.dma_semaphore, #tpu.memory_space<semaphore_mem>>
      %dma_start3A = arith.constant 0 : i32
      %dma_start3A_79 = tpu.memref_slice %arg11[%add3A_16, %dma_start3A] : memref<10240x16xf32, #tpu.memory_space<vmem_shared>> -> memref<128x16xf32, #tpu.memory_space<vmem_shared>>
      %dma_start3A_80 = arith.constant 0 : i32
      %dma_start3A_81 = tpu.memref_slice %arg11[%add3A_16, %dma_start3A_80] : memref<10240x16xf32, #tpu.memory_space<vmem_shared>> -> memref<128x16xf32, #tpu.memory_space<vmem_shared>>
      tpu.enqueue_dma source(%arg15 : memref<128x16xf32, #tpu.memory_space<vmem>>) target(%dma_start3A_81 : memref<128x16xf32, #tpu.memory_space<vmem_shared>>) target_semaphore(%run_scoped3A : memref<!tpu.dma_semaphore, #tpu.memory_space<semaphore_mem>>)
      %dma_wait3A = arith.constant 0 : i32
      %dma_wait3A_82 = tpu.memref_slice %arg11[%add3A_16, %dma_wait3A] : memref<10240x16xf32, #tpu.memory_space<vmem_shared>> -> memref<128x16xf32, #tpu.memory_space<vmem_shared>>
      %dma_wait3A_83 = arith.constant 0 : i32
      %dma_wait3A_84 = tpu.memref_slice %arg11[%add3A_16, %dma_wait3A_83] : memref<10240x16xf32, #tpu.memory_space<vmem_shared>> -> memref<128x16xf32, #tpu.memory_space<vmem_shared>>
      tpu.wait_dma2 semaphore(%run_scoped3A : memref<!tpu.dma_semaphore, #tpu.memory_space<semaphore_mem>>) src(%arg15 : memref<128x16xf32, #tpu.memory_space<vmem>>) dst(%dma_wait3A_84 : memref<128x16xf32, #tpu.memory_space<vmem_shared>>)
      tpu.yield
    }) : () -> ()
    %mul3A_17 = arith.constant 640 : i32
    %mul3A_18 = arith.muli %arg1, %mul3A_17 : i32
    %add3A_19 = arith.constant 512 : i32
    %add3A_20 = arith.addi %mul3A_18, %add3A_19 : i32
    "tpu.region"() ({
      %run_scoped3A = tpu.sem_alloc : memref<!tpu.dma_semaphore, #tpu.memory_space<semaphore_mem>>
      %dma_start3A = arith.constant 0 : i32
      %dma_start3A_79 = tpu.memref_slice %arg10[%add3A_20, %dma_start3A] : memref<10240x64xf32, #tpu.memory_space<vmem_shared>> -> memref<128x64xf32, #tpu.memory_space<vmem_shared>>
      %dma_start3A_80 = arith.constant 0 : i32
      %dma_start3A_81 = tpu.memref_slice %arg10[%add3A_20, %dma_start3A_80] : memref<10240x64xf32, #tpu.memory_space<vmem_shared>> -> memref<128x64xf32, #tpu.memory_space<vmem_shared>>
      tpu.enqueue_dma source(%arg14 : memref<128x64xf32, #tpu.memory_space<vmem>>) target(%dma_start3A_81 : memref<128x64xf32, #tpu.memory_space<vmem_shared>>) target_semaphore(%run_scoped3A : memref<!tpu.dma_semaphore, #tpu.memory_space<semaphore_mem>>)
      %dma_wait3A = arith.constant 0 : i32
      %dma_wait3A_82 = tpu.memref_slice %arg10[%add3A_20, %dma_wait3A] : memref<10240x64xf32, #tpu.memory_space<vmem_shared>> -> memref<128x64xf32, #tpu.memory_space<vmem_shared>>
      %dma_wait3A_83 = arith.constant 0 : i32
      %dma_wait3A_84 = tpu.memref_slice %arg10[%add3A_20, %dma_wait3A_83] : memref<10240x64xf32, #tpu.memory_space<vmem_shared>> -> memref<128x64xf32, #tpu.memory_space<vmem_shared>>
      tpu.wait_dma2 semaphore(%run_scoped3A : memref<!tpu.dma_semaphore, #tpu.memory_space<semaphore_mem>>) src(%arg14 : memref<128x64xf32, #tpu.memory_space<vmem>>) dst(%dma_wait3A_84 : memref<128x64xf32, #tpu.memory_space<vmem_shared>>)
      tpu.yield
    }) : () -> ()
    "tpu.region"() ({
      %run_scoped3A = tpu.sem_alloc : memref<!tpu.dma_semaphore, #tpu.memory_space<semaphore_mem>>
      %dma_start3A = arith.constant 0 : i32
      %dma_start3A_79 = tpu.memref_slice %arg11[%add3A_20, %dma_start3A] : memref<10240x16xf32, #tpu.memory_space<vmem_shared>> -> memref<128x16xf32, #tpu.memory_space<vmem_shared>>
      %dma_start3A_80 = arith.constant 0 : i32
      %dma_start3A_81 = tpu.memref_slice %arg11[%add3A_20, %dma_start3A_80] : memref<10240x16xf32, #tpu.memory_space<vmem_shared>> -> memref<128x16xf32, #tpu.memory_space<vmem_shared>>
      tpu.enqueue_dma source(%arg15 : memref<128x16xf32, #tpu.memory_space<vmem>>) target(%dma_start3A_81 : memref<128x16xf32, #tpu.memory_space<vmem_shared>>) target_semaphore(%run_scoped3A : memref<!tpu.dma_semaphore, #tpu.memory_space<semaphore_mem>>)
      %dma_wait3A = arith.constant 0 : i32
      %dma_wait3A_82 = tpu.memref_slice %arg11[%add3A_20, %dma_wait3A] : memref<10240x16xf32, #tpu.memory_space<vmem_shared>> -> memref<128x16xf32, #tpu.memory_space<vmem_shared>>
      %dma_wait3A_83 = arith.constant 0 : i32
      %dma_wait3A_84 = tpu.memref_slice %arg11[%add3A_20, %dma_wait3A_83] : memref<10240x16xf32, #tpu.memory_space<vmem_shared>> -> memref<128x16xf32, #tpu.memory_space<vmem_shared>>
      tpu.wait_dma2 semaphore(%run_scoped3A : memref<!tpu.dma_semaphore, #tpu.memory_space<semaphore_mem>>) src(%arg15 : memref<128x16xf32, #tpu.memory_space<vmem>>) dst(%dma_wait3A_84 : memref<128x16xf32, #tpu.memory_space<vmem_shared>>)
      tpu.yield
    }) : () -> ()
    "tpu.region"() ({
      %run_scoped3A = tpu.sem_alloc : memref<!tpu.dma_semaphore, #tpu.memory_space<semaphore_mem>>
      tpu.enqueue_dma source(%arg7 : memref<128x16xf32, #tpu.memory_space<hbm>>) target(%arg15 : memref<128x16xf32, #tpu.memory_space<vmem>>) target_semaphore(%run_scoped3A : memref<!tpu.dma_semaphore, #tpu.memory_space<semaphore_mem>>)
      tpu.wait_dma2 semaphore(%run_scoped3A : memref<!tpu.dma_semaphore, #tpu.memory_space<semaphore_mem>>) src(%arg7 : memref<128x16xf32, #tpu.memory_space<hbm>>) dst(%arg15 : memref<128x16xf32, #tpu.memory_space<vmem>>)
      tpu.yield
    }) : () -> ()
    %mul3A_21 = arith.constant 80 : i32
    %mul3A_22 = arith.muli %mul3A_21, %add3A : i32
    "tpu.region"() ({
      %run_scoped3A = tpu.sem_alloc : memref<!tpu.dma_semaphore, #tpu.memory_space<semaphore_mem>>
      %dma_start3A = arith.constant 0 : i32
      %dma_start3A_79 = tpu.memref_slice %arg3[%mul3A_22, %dma_start3A] : memref<2560x128xi32, #tpu.memory_space<hbm>> -> memref<80x128xi32, #tpu.memory_space<hbm>>
      %dma_start3A_80 = arith.constant 0 : i32
      %dma_start3A_81 = tpu.memref_slice %arg3[%mul3A_22, %dma_start3A_80] : memref<2560x128xi32, #tpu.memory_space<hbm>> -> memref<80x128xi32, #tpu.memory_space<hbm>>
      tpu.enqueue_dma source(%dma_start3A_81 : memref<80x128xi32, #tpu.memory_space<hbm>>) target(%arg12 : memref<80x128xi32, #tpu.memory_space<vmem>>) target_semaphore(%run_scoped3A : memref<!tpu.dma_semaphore, #tpu.memory_space<semaphore_mem>>)
      %dma_wait3A = arith.constant 0 : i32
      %dma_wait3A_82 = tpu.memref_slice %arg3[%mul3A_22, %dma_wait3A] : memref<2560x128xi32, #tpu.memory_space<hbm>> -> memref<80x128xi32, #tpu.memory_space<hbm>>
      %dma_wait3A_83 = arith.constant 0 : i32
      %dma_wait3A_84 = tpu.memref_slice %arg3[%mul3A_22, %dma_wait3A_83] : memref<2560x128xi32, #tpu.memory_space<hbm>> -> memref<80x128xi32, #tpu.memory_space<hbm>>
      tpu.wait_dma2 semaphore(%run_scoped3A : memref<!tpu.dma_semaphore, #tpu.memory_space<semaphore_mem>>) src(%dma_wait3A_84 : memref<80x128xi32, #tpu.memory_space<hbm>>) dst(%arg12 : memref<80x128xi32, #tpu.memory_space<vmem>>)
      tpu.yield
    }) : () -> ()
    "tpu.region"() ({
      %run_scoped3A = tpu.sem_alloc : memref<!tpu.dma_semaphore, #tpu.memory_space<semaphore_mem>>
      %dma_start3A = arith.constant 0 : i32
      %dma_start3A_79 = tpu.memref_slice %arg4[%mul3A_22, %dma_start3A] : memref<2560x128xi32, #tpu.memory_space<hbm>> -> memref<80x128xi32, #tpu.memory_space<hbm>>
      %dma_start3A_80 = arith.constant 0 : i32
      %dma_start3A_81 = tpu.memref_slice %arg4[%mul3A_22, %dma_start3A_80] : memref<2560x128xi32, #tpu.memory_space<hbm>> -> memref<80x128xi32, #tpu.memory_space<hbm>>
      tpu.enqueue_dma source(%dma_start3A_81 : memref<80x128xi32, #tpu.memory_space<hbm>>) target(%arg13 : memref<80x128xi32, #tpu.memory_space<vmem>>) target_semaphore(%run_scoped3A : memref<!tpu.dma_semaphore, #tpu.memory_space<semaphore_mem>>)
      %dma_wait3A = arith.constant 0 : i32
      %dma_wait3A_82 = tpu.memref_slice %arg4[%mul3A_22, %dma_wait3A] : memref<2560x128xi32, #tpu.memory_space<hbm>> -> memref<80x128xi32, #tpu.memory_space<hbm>>
      %dma_wait3A_83 = arith.constant 0 : i32
      %dma_wait3A_84 = tpu.memref_slice %arg4[%mul3A_22, %dma_wait3A_83] : memref<2560x128xi32, #tpu.memory_space<hbm>> -> memref<80x128xi32, #tpu.memory_space<hbm>>
      tpu.wait_dma2 semaphore(%run_scoped3A : memref<!tpu.dma_semaphore, #tpu.memory_space<semaphore_mem>>) src(%dma_wait3A_84 : memref<80x128xi32, #tpu.memory_space<hbm>>) dst(%arg13 : memref<80x128xi32, #tpu.memory_space<vmem>>)
      tpu.yield
    }) : () -> ()
    %barrier3A = arith.constant 0 : index
    tpu.barrier barrier_id(%barrier3A)
    %scan3A = arith.constant 0 : i32
    %scan3A_23 = arith.constant 0 : i32
    %scan3A_24 = arith.constant 80 : i32
    %scan3A_25 = arith.addi %scan3A_23, %scan3A_24 : i32
    %scan3A_26 = arith.constant 1 : i32
    scf.for %scan3A_79 = %scan3A_23 to %scan3A_25 step %scan3A_26  : i32 {
      %dma_start3A = arith.constant 0 : i32
      %dma_start3A_80 = tpu.memref_slice %arg12[%scan3A_79, %dma_start3A] : memref<80x128xi32, #tpu.memory_space<vmem>> -> memref<1x128xi32, #tpu.memory_space<vmem>>
      %dma_start3A_81 = tpu.memref_squeeze %dma_start3A_80 : memref<1x128xi32, #tpu.memory_space<vmem>> -> memref<128xi32, #tpu.memory_space<vmem>>
      %dma_start3A_82 = arith.constant 0 : i32
      %dma_start3A_83 = arith.constant 0 : i32
      %dma_start3A_84 = tpu.memref_slice %arg2[%dma_start3A_82, %dma_start3A_83] : memref<10000x64xf32, #tpu.memory_space<hbm>> -> memref<10000x64xf32, #tpu.memory_space<hbm>>
      tpu.enqueue_indirect_dma source(%dma_start3A_84 : memref<10000x64xf32, #tpu.memory_space<hbm>>) target(%arg14 : memref<128x64xf32, #tpu.memory_space<vmem>>) offsets(%dma_start3A_81 : memref<128xi32, #tpu.memory_space<vmem>>) semaphore(%arg16 : memref<!tpu.dma_semaphore, #tpu.memory_space<semaphore_mem>>)
      %dma_wait3A = arith.constant 0 : i32
      %dma_wait3A_85 = tpu.memref_slice %arg12[%scan3A_79, %dma_wait3A] : memref<80x128xi32, #tpu.memory_space<vmem>> -> memref<1x128xi32, #tpu.memory_space<vmem>>
      %dma_wait3A_86 = tpu.memref_squeeze %dma_wait3A_85 : memref<1x128xi32, #tpu.memory_space<vmem>> -> memref<128xi32, #tpu.memory_space<vmem>>
      %dma_wait3A_87 = arith.constant 0 : i32
      %dma_wait3A_88 = arith.constant 0 : i32
      %dma_wait3A_89 = tpu.memref_slice %arg2[%dma_wait3A_87, %dma_wait3A_88] : memref<10000x64xf32, #tpu.memory_space<hbm>> -> memref<10000x64xf32, #tpu.memory_space<hbm>>
      tpu.wait_indirect_dma semaphore(%arg16 : memref<!tpu.dma_semaphore, #tpu.memory_space<semaphore_mem>>) src(%dma_wait3A_89 : memref<10000x64xf32, #tpu.memory_space<hbm>>) dst(%arg14 : memref<128x64xf32, #tpu.memory_space<vmem>>)
      "tpu.region"() ({
        %run_scoped3A = tpu.sem_alloc : memref<!tpu.dma_semaphore, #tpu.memory_space<semaphore_mem>>
        %dma_start3A_90 = arith.constant 0 : i32
        %dma_start3A_91 = tpu.memref_slice %arg13[%scan3A_79, %dma_start3A_90] : memref<80x128xi32, #tpu.memory_space<vmem>> -> memref<1x128xi32, #tpu.memory_space<vmem>>
        %dma_start3A_92 = tpu.memref_squeeze %dma_start3A_91 : memref<1x128xi32, #tpu.memory_space<vmem>> -> memref<128xi32, #tpu.memory_space<vmem>>
        %dma_start3A_93 = arith.constant 0 : i32
        %dma_start3A_94 = arith.constant 0 : i32
        %dma_start3A_95 = tpu.memref_slice %arg10[%dma_start3A_93, %dma_start3A_94] : memref<10240x64xf32, #tpu.memory_space<vmem_shared>> -> memref<10240x64xf32, #tpu.memory_space<vmem_shared>>
        tpu.enqueue_indirect_dma source(%arg14 : memref<128x64xf32, #tpu.memory_space<vmem>>) target(%dma_start3A_95 : memref<10240x64xf32, #tpu.memory_space<vmem_shared>>) offsets(%dma_start3A_92 : memref<128xi32, #tpu.memory_space<vmem>>) semaphore(%run_scoped3A : memref<!tpu.dma_semaphore, #tpu.memory_space<semaphore_mem>>) {add = true}
        %dma_wait3A_96 = arith.constant 0 : i32
        %dma_wait3A_97 = tpu.memref_slice %arg13[%scan3A_79, %dma_wait3A_96] : memref<80x128xi32, #tpu.memory_space<vmem>> -> memref<1x128xi32, #tpu.memory_space<vmem>>
        %dma_wait3A_98 = tpu.memref_squeeze %dma_wait3A_97 : memref<1x128xi32, #tpu.memory_space<vmem>> -> memref<128xi32, #tpu.memory_space<vmem>>
        %dma_wait3A_99 = arith.constant 0 : i32
        %dma_wait3A_100 = arith.constant 0 : i32
        %dma_wait3A_101 = tpu.memref_slice %arg10[%dma_wait3A_99, %dma_wait3A_100] : memref<10240x64xf32, #tpu.memory_space<vmem_shared>> -> memref<10240x64xf32, #tpu.memory_space<vmem_shared>>
        tpu.wait_indirect_dma semaphore(%run_scoped3A : memref<!tpu.dma_semaphore, #tpu.memory_space<semaphore_mem>>) src(%arg14 : memref<128x64xf32, #tpu.memory_space<vmem>>) dst(%dma_wait3A_101 : memref<10240x64xf32, #tpu.memory_space<vmem_shared>>)
        tpu.yield
      }) : () -> ()
      "tpu.region"() ({
        %run_scoped3A = tpu.sem_alloc : memref<!tpu.dma_semaphore, #tpu.memory_space<semaphore_mem>>
        %dma_start3A_90 = arith.constant 0 : i32
        %dma_start3A_91 = tpu.memref_slice %arg13[%scan3A_79, %dma_start3A_90] : memref<80x128xi32, #tpu.memory_space<vmem>> -> memref<1x128xi32, #tpu.memory_space<vmem>>
        %dma_start3A_92 = tpu.memref_squeeze %dma_start3A_91 : memref<1x128xi32, #tpu.memory_space<vmem>> -> memref<128xi32, #tpu.memory_space<vmem>>
        %dma_start3A_93 = arith.constant 0 : i32
        %dma_start3A_94 = arith.constant 0 : i32
        %dma_start3A_95 = tpu.memref_slice %arg11[%dma_start3A_93, %dma_start3A_94] : memref<10240x16xf32, #tpu.memory_space<vmem_shared>> -> memref<10240x16xf32, #tpu.memory_space<vmem_shared>>
        tpu.enqueue_indirect_dma source(%arg15 : memref<128x16xf32, #tpu.memory_space<vmem>>) target(%dma_start3A_95 : memref<10240x16xf32, #tpu.memory_space<vmem_shared>>) offsets(%dma_start3A_92 : memref<128xi32, #tpu.memory_space<vmem>>) semaphore(%run_scoped3A : memref<!tpu.dma_semaphore, #tpu.memory_space<semaphore_mem>>) {add = true}
        %dma_wait3A_96 = arith.constant 0 : i32
        %dma_wait3A_97 = tpu.memref_slice %arg13[%scan3A_79, %dma_wait3A_96] : memref<80x128xi32, #tpu.memory_space<vmem>> -> memref<1x128xi32, #tpu.memory_space<vmem>>
        %dma_wait3A_98 = tpu.memref_squeeze %dma_wait3A_97 : memref<1x128xi32, #tpu.memory_space<vmem>> -> memref<128xi32, #tpu.memory_space<vmem>>
        %dma_wait3A_99 = arith.constant 0 : i32
        %dma_wait3A_100 = arith.constant 0 : i32
        %dma_wait3A_101 = tpu.memref_slice %arg11[%dma_wait3A_99, %dma_wait3A_100] : memref<10240x16xf32, #tpu.memory_space<vmem_shared>> -> memref<10240x16xf32, #tpu.memory_space<vmem_shared>>
        tpu.wait_indirect_dma semaphore(%run_scoped3A : memref<!tpu.dma_semaphore, #tpu.memory_space<semaphore_mem>>) src(%arg15 : memref<128x16xf32, #tpu.memory_space<vmem>>) dst(%dma_wait3A_101 : memref<10240x16xf32, #tpu.memory_space<vmem_shared>>)
        tpu.yield
      }) : () -> ()
    }
    %scan3A_27 = arith.constant 80 : i32
    %barrier3A_28 = arith.constant 0 : index
    tpu.barrier barrier_id(%barrier3A_28)
    %mul3A_29 = arith.constant 640 : i32
    %mul3A_30 = arith.muli %arg1, %mul3A_29 : i32
    %add3A_31 = arith.constant 0 : i32
    %add3A_32 = arith.addi %mul3A_30, %add3A_31 : i32
    "tpu.region"() ({
      %run_scoped3A = tpu.sem_alloc : memref<!tpu.dma_semaphore, #tpu.memory_space<semaphore_mem>>
      %dma_start3A = arith.constant 0 : i32
      %dma_start3A_79 = tpu.memref_slice %arg10[%add3A_32, %dma_start3A] : memref<10240x64xf32, #tpu.memory_space<vmem_shared>> -> memref<128x64xf32, #tpu.memory_space<vmem_shared>>
      %dma_start3A_80 = arith.constant 0 : i32
      %dma_start3A_81 = tpu.memref_slice %arg10[%add3A_32, %dma_start3A_80] : memref<10240x64xf32, #tpu.memory_space<vmem_shared>> -> memref<128x64xf32, #tpu.memory_space<vmem_shared>>
      tpu.enqueue_dma source(%dma_start3A_81 : memref<128x64xf32, #tpu.memory_space<vmem_shared>>) target(%arg14 : memref<128x64xf32, #tpu.memory_space<vmem>>) target_semaphore(%run_scoped3A : memref<!tpu.dma_semaphore, #tpu.memory_space<semaphore_mem>>)
      %dma_wait3A = arith.constant 0 : i32
      %dma_wait3A_82 = tpu.memref_slice %arg10[%add3A_32, %dma_wait3A] : memref<10240x64xf32, #tpu.memory_space<vmem_shared>> -> memref<128x64xf32, #tpu.memory_space<vmem_shared>>
      %dma_wait3A_83 = arith.constant 0 : i32
      %dma_wait3A_84 = tpu.memref_slice %arg10[%add3A_32, %dma_wait3A_83] : memref<10240x64xf32, #tpu.memory_space<vmem_shared>> -> memref<128x64xf32, #tpu.memory_space<vmem_shared>>
      tpu.wait_dma2 semaphore(%run_scoped3A : memref<!tpu.dma_semaphore, #tpu.memory_space<semaphore_mem>>) src(%dma_wait3A_84 : memref<128x64xf32, #tpu.memory_space<vmem_shared>>) dst(%arg14 : memref<128x64xf32, #tpu.memory_space<vmem>>)
      tpu.yield
    }) : () -> ()
    %mul3A_33 = arith.constant 10240 : i32
    %mul3A_34 = arith.muli %arg0, %mul3A_33 : i32
    %add3A_35 = arith.addi %mul3A_34, %add3A_32 : i32
    "tpu.region"() ({
      %run_scoped3A = tpu.sem_alloc : memref<!tpu.dma_semaphore, #tpu.memory_space<semaphore_mem>>
      %dma_start3A = arith.constant 0 : i32
      %dma_start3A_79 = tpu.memref_slice %arg8[%add3A_35, %dma_start3A] : memref<20480x64xf32, #tpu.memory_space<hbm>> -> memref<128x64xf32, #tpu.memory_space<hbm>>
      %dma_start3A_80 = arith.constant 0 : i32
      %dma_start3A_81 = tpu.memref_slice %arg8[%add3A_35, %dma_start3A_80] : memref<20480x64xf32, #tpu.memory_space<hbm>> -> memref<128x64xf32, #tpu.memory_space<hbm>>
      tpu.enqueue_dma source(%arg14 : memref<128x64xf32, #tpu.memory_space<vmem>>) target(%dma_start3A_81 : memref<128x64xf32, #tpu.memory_space<hbm>>) target_semaphore(%run_scoped3A : memref<!tpu.dma_semaphore, #tpu.memory_space<semaphore_mem>>)
      %dma_wait3A = arith.constant 0 : i32
      %dma_wait3A_82 = tpu.memref_slice %arg8[%add3A_35, %dma_wait3A] : memref<20480x64xf32, #tpu.memory_space<hbm>> -> memref<128x64xf32, #tpu.memory_space<hbm>>
      %dma_wait3A_83 = arith.constant 0 : i32
      %dma_wait3A_84 = tpu.memref_slice %arg8[%add3A_35, %dma_wait3A_83] : memref<20480x64xf32, #tpu.memory_space<hbm>> -> memref<128x64xf32, #tpu.memory_space<hbm>>
      tpu.wait_dma2 semaphore(%run_scoped3A : memref<!tpu.dma_semaphore, #tpu.memory_space<semaphore_mem>>) src(%arg14 : memref<128x64xf32, #tpu.memory_space<vmem>>) dst(%dma_wait3A_84 : memref<128x64xf32, #tpu.memory_space<hbm>>)
      tpu.yield
    }) : () -> ()
    "tpu.region"() ({
      %run_scoped3A = tpu.sem_alloc : memref<!tpu.dma_semaphore, #tpu.memory_space<semaphore_mem>>
      %dma_start3A = arith.constant 0 : i32
      %dma_start3A_79 = tpu.memref_slice %arg11[%add3A_32, %dma_start3A] : memref<10240x16xf32, #tpu.memory_space<vmem_shared>> -> memref<128x16xf32, #tpu.memory_space<vmem_shared>>
      %dma_start3A_80 = arith.constant 0 : i32
      %dma_start3A_81 = tpu.memref_slice %arg11[%add3A_32, %dma_start3A_80] : memref<10240x16xf32, #tpu.memory_space<vmem_shared>> -> memref<128x16xf32, #tpu.memory_space<vmem_shared>>
      tpu.enqueue_dma source(%dma_start3A_81 : memref<128x16xf32, #tpu.memory_space<vmem_shared>>) target(%arg15 : memref<128x16xf32, #tpu.memory_space<vmem>>) target_semaphore(%run_scoped3A : memref<!tpu.dma_semaphore, #tpu.memory_space<semaphore_mem>>)
      %dma_wait3A = arith.constant 0 : i32
      %dma_wait3A_82 = tpu.memref_slice %arg11[%add3A_32, %dma_wait3A] : memref<10240x16xf32, #tpu.memory_space<vmem_shared>> -> memref<128x16xf32, #tpu.memory_space<vmem_shared>>
      %dma_wait3A_83 = arith.constant 0 : i32
      %dma_wait3A_84 = tpu.memref_slice %arg11[%add3A_32, %dma_wait3A_83] : memref<10240x16xf32, #tpu.memory_space<vmem_shared>> -> memref<128x16xf32, #tpu.memory_space<vmem_shared>>
      tpu.wait_dma2 semaphore(%run_scoped3A : memref<!tpu.dma_semaphore, #tpu.memory_space<semaphore_mem>>) src(%dma_wait3A_84 : memref<128x16xf32, #tpu.memory_space<vmem_shared>>) dst(%arg15 : memref<128x16xf32, #tpu.memory_space<vmem>>)
      tpu.yield
    }) : () -> ()
    %mul3A_36 = arith.constant 10240 : i32
    %mul3A_37 = arith.muli %arg0, %mul3A_36 : i32
    %add3A_38 = arith.addi %mul3A_37, %add3A_32 : i32
    "tpu.region"() ({
      %run_scoped3A = tpu.sem_alloc : memref<!tpu.dma_semaphore, #tpu.memory_space<semaphore_mem>>
      %dma_start3A = arith.constant 0 : i32
      %dma_start3A_79 = tpu.memref_slice %arg9[%add3A_38, %dma_start3A] : memref<20480x16xf32, #tpu.memory_space<hbm>> -> memref<128x16xf32, #tpu.memory_space<hbm>>
      %dma_start3A_80 = arith.constant 0 : i32
      %dma_start3A_81 = tpu.memref_slice %arg9[%add3A_38, %dma_start3A_80] : memref<20480x16xf32, #tpu.memory_space<hbm>> -> memref<128x16xf32, #tpu.memory_space<hbm>>
      tpu.enqueue_dma source(%arg15 : memref<128x16xf32, #tpu.memory_space<vmem>>) target(%dma_start3A_81 : memref<128x16xf32, #tpu.memory_space<hbm>>) target_semaphore(%run_scoped3A : memref<!tpu.dma_semaphore, #tpu.memory_space<semaphore_mem>>)
      %dma_wait3A = arith.constant 0 : i32
      %dma_wait3A_82 = tpu.memref_slice %arg9[%add3A_38, %dma_wait3A] : memref<20480x16xf32, #tpu.memory_space<hbm>> -> memref<128x16xf32, #tpu.memory_space<hbm>>
      %dma_wait3A_83 = arith.constant 0 : i32
      %dma_wait3A_84 = tpu.memref_slice %arg9[%add3A_38, %dma_wait3A_83] : memref<20480x16xf32, #tpu.memory_space<hbm>> -> memref<128x16xf32, #tpu.memory_space<hbm>>
      tpu.wait_dma2 semaphore(%run_scoped3A : memref<!tpu.dma_semaphore, #tpu.memory_space<semaphore_mem>>) src(%arg15 : memref<128x16xf32, #tpu.memory_space<vmem>>) dst(%dma_wait3A_84 : memref<128x16xf32, #tpu.memory_space<hbm>>)
      tpu.yield
    }) : () -> ()
    %mul3A_39 = arith.constant 640 : i32
    %mul3A_40 = arith.muli %arg1, %mul3A_39 : i32
    %add3A_41 = arith.constant 128 : i32
    %add3A_42 = arith.addi %mul3A_40, %add3A_41 : i32
    "tpu.region"() ({
      %run_scoped3A = tpu.sem_alloc : memref<!tpu.dma_semaphore, #tpu.memory_space<semaphore_mem>>
      %dma_start3A = arith.constant 0 : i32
      %dma_start3A_79 = tpu.memref_slice %arg10[%add3A_42, %dma_start3A] : memref<10240x64xf32, #tpu.memory_space<vmem_shared>> -> memref<128x64xf32, #tpu.memory_space<vmem_shared>>
      %dma_start3A_80 = arith.constant 0 : i32
      %dma_start3A_81 = tpu.memref_slice %arg10[%add3A_42, %dma_start3A_80] : memref<10240x64xf32, #tpu.memory_space<vmem_shared>> -> memref<128x64xf32, #tpu.memory_space<vmem_shared>>
      tpu.enqueue_dma source(%dma_start3A_81 : memref<128x64xf32, #tpu.memory_space<vmem_shared>>) target(%arg14 : memref<128x64xf32, #tpu.memory_space<vmem>>) target_semaphore(%run_scoped3A : memref<!tpu.dma_semaphore, #tpu.memory_space<semaphore_mem>>)
      %dma_wait3A = arith.constant 0 : i32
      %dma_wait3A_82 = tpu.memref_slice %arg10[%add3A_42, %dma_wait3A] : memref<10240x64xf32, #tpu.memory_space<vmem_shared>> -> memref<128x64xf32, #tpu.memory_space<vmem_shared>>
      %dma_wait3A_83 = arith.constant 0 : i32
      %dma_wait3A_84 = tpu.memref_slice %arg10[%add3A_42, %dma_wait3A_83] : memref<10240x64xf32, #tpu.memory_space<vmem_shared>> -> memref<128x64xf32, #tpu.memory_space<vmem_shared>>
      tpu.wait_dma2 semaphore(%run_scoped3A : memref<!tpu.dma_semaphore, #tpu.memory_space<semaphore_mem>>) src(%dma_wait3A_84 : memref<128x64xf32, #tpu.memory_space<vmem_shared>>) dst(%arg14 : memref<128x64xf32, #tpu.memory_space<vmem>>)
      tpu.yield
    }) : () -> ()
    %mul3A_43 = arith.constant 10240 : i32
    %mul3A_44 = arith.muli %arg0, %mul3A_43 : i32
    %add3A_45 = arith.addi %mul3A_44, %add3A_42 : i32
    "tpu.region"() ({
      %run_scoped3A = tpu.sem_alloc : memref<!tpu.dma_semaphore, #tpu.memory_space<semaphore_mem>>
      %dma_start3A = arith.constant 0 : i32
      %dma_start3A_79 = tpu.memref_slice %arg8[%add3A_45, %dma_start3A] : memref<20480x64xf32, #tpu.memory_space<hbm>> -> memref<128x64xf32, #tpu.memory_space<hbm>>
      %dma_start3A_80 = arith.constant 0 : i32
      %dma_start3A_81 = tpu.memref_slice %arg8[%add3A_45, %dma_start3A_80] : memref<20480x64xf32, #tpu.memory_space<hbm>> -> memref<128x64xf32, #tpu.memory_space<hbm>>
      tpu.enqueue_dma source(%arg14 : memref<128x64xf32, #tpu.memory_space<vmem>>) target(%dma_start3A_81 : memref<128x64xf32, #tpu.memory_space<hbm>>) target_semaphore(%run_scoped3A : memref<!tpu.dma_semaphore, #tpu.memory_space<semaphore_mem>>)
      %dma_wait3A = arith.constant 0 : i32
      %dma_wait3A_82 = tpu.memref_slice %arg8[%add3A_45, %dma_wait3A] : memref<20480x64xf32, #tpu.memory_space<hbm>> -> memref<128x64xf32, #tpu.memory_space<hbm>>
      %dma_wait3A_83 = arith.constant 0 : i32
      %dma_wait3A_84 = tpu.memref_slice %arg8[%add3A_45, %dma_wait3A_83] : memref<20480x64xf32, #tpu.memory_space<hbm>> -> memref<128x64xf32, #tpu.memory_space<hbm>>
      tpu.wait_dma2 semaphore(%run_scoped3A : memref<!tpu.dma_semaphore, #tpu.memory_space<semaphore_mem>>) src(%arg14 : memref<128x64xf32, #tpu.memory_space<vmem>>) dst(%dma_wait3A_84 : memref<128x64xf32, #tpu.memory_space<hbm>>)
      tpu.yield
    }) : () -> ()
    "tpu.region"() ({
      %run_scoped3A = tpu.sem_alloc : memref<!tpu.dma_semaphore, #tpu.memory_space<semaphore_mem>>
      %dma_start3A = arith.constant 0 : i32
      %dma_start3A_79 = tpu.memref_slice %arg11[%add3A_42, %dma_start3A] : memref<10240x16xf32, #tpu.memory_space<vmem_shared>> -> memref<128x16xf32, #tpu.memory_space<vmem_shared>>
      %dma_start3A_80 = arith.constant 0 : i32
      %dma_start3A_81 = tpu.memref_slice %arg11[%add3A_42, %dma_start3A_80] : memref<10240x16xf32, #tpu.memory_space<vmem_shared>> -> memref<128x16xf32, #tpu.memory_space<vmem_shared>>
      tpu.enqueue_dma source(%dma_start3A_81 : memref<128x16xf32, #tpu.memory_space<vmem_shared>>) target(%arg15 : memref<128x16xf32, #tpu.memory_space<vmem>>) target_semaphore(%run_scoped3A : memref<!tpu.dma_semaphore, #tpu.memory_space<semaphore_mem>>)
      %dma_wait3A = arith.constant 0 : i32
      %dma_wait3A_82 = tpu.memref_slice %arg11[%add3A_42, %dma_wait3A] : memref<10240x16xf32, #tpu.memory_space<vmem_shared>> -> memref<128x16xf32, #tpu.memory_space<vmem_shared>>
      %dma_wait3A_83 = arith.constant 0 : i32
      %dma_wait3A_84 = tpu.memref_slice %arg11[%add3A_42, %dma_wait3A_83] : memref<10240x16xf32, #tpu.memory_space<vmem_shared>> -> memref<128x16xf32, #tpu.memory_space<vmem_shared>>
      tpu.wait_dma2 semaphore(%run_scoped3A : memref<!tpu.dma_semaphore, #tpu.memory_space<semaphore_mem>>) src(%dma_wait3A_84 : memref<128x16xf32, #tpu.memory_space<vmem_shared>>) dst(%arg15 : memref<128x16xf32, #tpu.memory_space<vmem>>)
      tpu.yield
    }) : () -> ()
    %mul3A_46 = arith.constant 10240 : i32
    %mul3A_47 = arith.muli %arg0, %mul3A_46 : i32
    %add3A_48 = arith.addi %mul3A_47, %add3A_42 : i32
    "tpu.region"() ({
      %run_scoped3A = tpu.sem_alloc : memref<!tpu.dma_semaphore, #tpu.memory_space<semaphore_mem>>
      %dma_start3A = arith.constant 0 : i32
      %dma_start3A_79 = tpu.memref_slice %arg9[%add3A_48, %dma_start3A] : memref<20480x16xf32, #tpu.memory_space<hbm>> -> memref<128x16xf32, #tpu.memory_space<hbm>>
      %dma_start3A_80 = arith.constant 0 : i32
      %dma_start3A_81 = tpu.memref_slice %arg9[%add3A_48, %dma_start3A_80] : memref<20480x16xf32, #tpu.memory_space<hbm>> -> memref<128x16xf32, #tpu.memory_space<hbm>>
      tpu.enqueue_dma source(%arg15 : memref<128x16xf32, #tpu.memory_space<vmem>>) target(%dma_start3A_81 : memref<128x16xf32, #tpu.memory_space<hbm>>) target_semaphore(%run_scoped3A : memref<!tpu.dma_semaphore, #tpu.memory_space<semaphore_mem>>)
      %dma_wait3A = arith.constant 0 : i32
      %dma_wait3A_82 = tpu.memref_slice %arg9[%add3A_48, %dma_wait3A] : memref<20480x16xf32, #tpu.memory_space<hbm>> -> memref<128x16xf32, #tpu.memory_space<hbm>>
      %dma_wait3A_83 = arith.constant 0 : i32
      %dma_wait3A_84 = tpu.memref_slice %arg9[%add3A_48, %dma_wait3A_83] : memref<20480x16xf32, #tpu.memory_space<hbm>> -> memref<128x16xf32, #tpu.memory_space<hbm>>
      tpu.wait_dma2 semaphore(%run_scoped3A : memref<!tpu.dma_semaphore, #tpu.memory_space<semaphore_mem>>) src(%arg15 : memref<128x16xf32, #tpu.memory_space<vmem>>) dst(%dma_wait3A_84 : memref<128x16xf32, #tpu.memory_space<hbm>>)
      tpu.yield
    }) : () -> ()
    %mul3A_49 = arith.constant 640 : i32
    %mul3A_50 = arith.muli %arg1, %mul3A_49 : i32
    %add3A_51 = arith.constant 256 : i32
    %add3A_52 = arith.addi %mul3A_50, %add3A_51 : i32
    "tpu.region"() ({
      %run_scoped3A = tpu.sem_alloc : memref<!tpu.dma_semaphore, #tpu.memory_space<semaphore_mem>>
      %dma_start3A = arith.constant 0 : i32
      %dma_start3A_79 = tpu.memref_slice %arg10[%add3A_52, %dma_start3A] : memref<10240x64xf32, #tpu.memory_space<vmem_shared>> -> memref<128x64xf32, #tpu.memory_space<vmem_shared>>
      %dma_start3A_80 = arith.constant 0 : i32
      %dma_start3A_81 = tpu.memref_slice %arg10[%add3A_52, %dma_start3A_80] : memref<10240x64xf32, #tpu.memory_space<vmem_shared>> -> memref<128x64xf32, #tpu.memory_space<vmem_shared>>
      tpu.enqueue_dma source(%dma_start3A_81 : memref<128x64xf32, #tpu.memory_space<vmem_shared>>) target(%arg14 : memref<128x64xf32, #tpu.memory_space<vmem>>) target_semaphore(%run_scoped3A : memref<!tpu.dma_semaphore, #tpu.memory_space<semaphore_mem>>)
      %dma_wait3A = arith.constant 0 : i32
      %dma_wait3A_82 = tpu.memref_slice %arg10[%add3A_52, %dma_wait3A] : memref<10240x64xf32, #tpu.memory_space<vmem_shared>> -> memref<128x64xf32, #tpu.memory_space<vmem_shared>>
      %dma_wait3A_83 = arith.constant 0 : i32
      %dma_wait3A_84 = tpu.memref_slice %arg10[%add3A_52, %dma_wait3A_83] : memref<10240x64xf32, #tpu.memory_space<vmem_shared>> -> memref<128x64xf32, #tpu.memory_space<vmem_shared>>
      tpu.wait_dma2 semaphore(%run_scoped3A : memref<!tpu.dma_semaphore, #tpu.memory_space<semaphore_mem>>) src(%dma_wait3A_84 : memref<128x64xf32, #tpu.memory_space<vmem_shared>>) dst(%arg14 : memref<128x64xf32, #tpu.memory_space<vmem>>)
      tpu.yield
    }) : () -> ()
    %mul3A_53 = arith.constant 10240 : i32
    %mul3A_54 = arith.muli %arg0, %mul3A_53 : i32
    %add3A_55 = arith.addi %mul3A_54, %add3A_52 : i32
    "tpu.region"() ({
      %run_scoped3A = tpu.sem_alloc : memref<!tpu.dma_semaphore, #tpu.memory_space<semaphore_mem>>
      %dma_start3A = arith.constant 0 : i32
      %dma_start3A_79 = tpu.memref_slice %arg8[%add3A_55, %dma_start3A] : memref<20480x64xf32, #tpu.memory_space<hbm>> -> memref<128x64xf32, #tpu.memory_space<hbm>>
      %dma_start3A_80 = arith.constant 0 : i32
      %dma_start3A_81 = tpu.memref_slice %arg8[%add3A_55, %dma_start3A_80] : memref<20480x64xf32, #tpu.memory_space<hbm>> -> memref<128x64xf32, #tpu.memory_space<hbm>>
      tpu.enqueue_dma source(%arg14 : memref<128x64xf32, #tpu.memory_space<vmem>>) target(%dma_start3A_81 : memref<128x64xf32, #tpu.memory_space<hbm>>) target_semaphore(%run_scoped3A : memref<!tpu.dma_semaphore, #tpu.memory_space<semaphore_mem>>)
      %dma_wait3A = arith.constant 0 : i32
      %dma_wait3A_82 = tpu.memref_slice %arg8[%add3A_55, %dma_wait3A] : memref<20480x64xf32, #tpu.memory_space<hbm>> -> memref<128x64xf32, #tpu.memory_space<hbm>>
      %dma_wait3A_83 = arith.constant 0 : i32
      %dma_wait3A_84 = tpu.memref_slice %arg8[%add3A_55, %dma_wait3A_83] : memref<20480x64xf32, #tpu.memory_space<hbm>> -> memref<128x64xf32, #tpu.memory_space<hbm>>
      tpu.wait_dma2 semaphore(%run_scoped3A : memref<!tpu.dma_semaphore, #tpu.memory_space<semaphore_mem>>) src(%arg14 : memref<128x64xf32, #tpu.memory_space<vmem>>) dst(%dma_wait3A_84 : memref<128x64xf32, #tpu.memory_space<hbm>>)
      tpu.yield
    }) : () -> ()
    "tpu.region"() ({
      %run_scoped3A = tpu.sem_alloc : memref<!tpu.dma_semaphore, #tpu.memory_space<semaphore_mem>>
      %dma_start3A = arith.constant 0 : i32
      %dma_start3A_79 = tpu.memref_slice %arg11[%add3A_52, %dma_start3A] : memref<10240x16xf32, #tpu.memory_space<vmem_shared>> -> memref<128x16xf32, #tpu.memory_space<vmem_shared>>
      %dma_start3A_80 = arith.constant 0 : i32
      %dma_start3A_81 = tpu.memref_slice %arg11[%add3A_52, %dma_start3A_80] : memref<10240x16xf32, #tpu.memory_space<vmem_shared>> -> memref<128x16xf32, #tpu.memory_space<vmem_shared>>
      tpu.enqueue_dma source(%dma_start3A_81 : memref<128x16xf32, #tpu.memory_space<vmem_shared>>) target(%arg15 : memref<128x16xf32, #tpu.memory_space<vmem>>) target_semaphore(%run_scoped3A : memref<!tpu.dma_semaphore, #tpu.memory_space<semaphore_mem>>)
      %dma_wait3A = arith.constant 0 : i32
      %dma_wait3A_82 = tpu.memref_slice %arg11[%add3A_52, %dma_wait3A] : memref<10240x16xf32, #tpu.memory_space<vmem_shared>> -> memref<128x16xf32, #tpu.memory_space<vmem_shared>>
      %dma_wait3A_83 = arith.constant 0 : i32
      %dma_wait3A_84 = tpu.memref_slice %arg11[%add3A_52, %dma_wait3A_83] : memref<10240x16xf32, #tpu.memory_space<vmem_shared>> -> memref<128x16xf32, #tpu.memory_space<vmem_shared>>
      tpu.wait_dma2 semaphore(%run_scoped3A : memref<!tpu.dma_semaphore, #tpu.memory_space<semaphore_mem>>) src(%dma_wait3A_84 : memref<128x16xf32, #tpu.memory_space<vmem_shared>>) dst(%arg15 : memref<128x16xf32, #tpu.memory_space<vmem>>)
      tpu.yield
    }) : () -> ()
    %mul3A_56 = arith.constant 10240 : i32
    %mul3A_57 = arith.muli %arg0, %mul3A_56 : i32
    %add3A_58 = arith.addi %mul3A_57, %add3A_52 : i32
    "tpu.region"() ({
      %run_scoped3A = tpu.sem_alloc : memref<!tpu.dma_semaphore, #tpu.memory_space<semaphore_mem>>
      %dma_start3A = arith.constant 0 : i32
      %dma_start3A_79 = tpu.memref_slice %arg9[%add3A_58, %dma_start3A] : memref<20480x16xf32, #tpu.memory_space<hbm>> -> memref<128x16xf32, #tpu.memory_space<hbm>>
      %dma_start3A_80 = arith.constant 0 : i32
      %dma_start3A_81 = tpu.memref_slice %arg9[%add3A_58, %dma_start3A_80] : memref<20480x16xf32, #tpu.memory_space<hbm>> -> memref<128x16xf32, #tpu.memory_space<hbm>>
      tpu.enqueue_dma source(%arg15 : memref<128x16xf32, #tpu.memory_space<vmem>>) target(%dma_start3A_81 : memref<128x16xf32, #tpu.memory_space<hbm>>) target_semaphore(%run_scoped3A : memref<!tpu.dma_semaphore, #tpu.memory_space<semaphore_mem>>)
      %dma_wait3A = arith.constant 0 : i32
      %dma_wait3A_82 = tpu.memref_slice %arg9[%add3A_58, %dma_wait3A] : memref<20480x16xf32, #tpu.memory_space<hbm>> -> memref<128x16xf32, #tpu.memory_space<hbm>>
      %dma_wait3A_83 = arith.constant 0 : i32
      %dma_wait3A_84 = tpu.memref_slice %arg9[%add3A_58, %dma_wait3A_83] : memref<20480x16xf32, #tpu.memory_space<hbm>> -> memref<128x16xf32, #tpu.memory_space<hbm>>
      tpu.wait_dma2 semaphore(%run_scoped3A : memref<!tpu.dma_semaphore, #tpu.memory_space<semaphore_mem>>) src(%arg15 : memref<128x16xf32, #tpu.memory_space<vmem>>) dst(%dma_wait3A_84 : memref<128x16xf32, #tpu.memory_space<hbm>>)
      tpu.yield
    }) : () -> ()
    %mul3A_59 = arith.constant 640 : i32
    %mul3A_60 = arith.muli %arg1, %mul3A_59 : i32
    %add3A_61 = arith.constant 384 : i32
    %add3A_62 = arith.addi %mul3A_60, %add3A_61 : i32
    "tpu.region"() ({
      %run_scoped3A = tpu.sem_alloc : memref<!tpu.dma_semaphore, #tpu.memory_space<semaphore_mem>>
      %dma_start3A = arith.constant 0 : i32
      %dma_start3A_79 = tpu.memref_slice %arg10[%add3A_62, %dma_start3A] : memref<10240x64xf32, #tpu.memory_space<vmem_shared>> -> memref<128x64xf32, #tpu.memory_space<vmem_shared>>
      %dma_start3A_80 = arith.constant 0 : i32
      %dma_start3A_81 = tpu.memref_slice %arg10[%add3A_62, %dma_start3A_80] : memref<10240x64xf32, #tpu.memory_space<vmem_shared>> -> memref<128x64xf32, #tpu.memory_space<vmem_shared>>
      tpu.enqueue_dma source(%dma_start3A_81 : memref<128x64xf32, #tpu.memory_space<vmem_shared>>) target(%arg14 : memref<128x64xf32, #tpu.memory_space<vmem>>) target_semaphore(%run_scoped3A : memref<!tpu.dma_semaphore, #tpu.memory_space<semaphore_mem>>)
      %dma_wait3A = arith.constant 0 : i32
      %dma_wait3A_82 = tpu.memref_slice %arg10[%add3A_62, %dma_wait3A] : memref<10240x64xf32, #tpu.memory_space<vmem_shared>> -> memref<128x64xf32, #tpu.memory_space<vmem_shared>>
      %dma_wait3A_83 = arith.constant 0 : i32
      %dma_wait3A_84 = tpu.memref_slice %arg10[%add3A_62, %dma_wait3A_83] : memref<10240x64xf32, #tpu.memory_space<vmem_shared>> -> memref<128x64xf32, #tpu.memory_space<vmem_shared>>
      tpu.wait_dma2 semaphore(%run_scoped3A : memref<!tpu.dma_semaphore, #tpu.memory_space<semaphore_mem>>) src(%dma_wait3A_84 : memref<128x64xf32, #tpu.memory_space<vmem_shared>>) dst(%arg14 : memref<128x64xf32, #tpu.memory_space<vmem>>)
      tpu.yield
    }) : () -> ()
    %mul3A_63 = arith.constant 10240 : i32
    %mul3A_64 = arith.muli %arg0, %mul3A_63 : i32
    %add3A_65 = arith.addi %mul3A_64, %add3A_62 : i32
    "tpu.region"() ({
      %run_scoped3A = tpu.sem_alloc : memref<!tpu.dma_semaphore, #tpu.memory_space<semaphore_mem>>
      %dma_start3A = arith.constant 0 : i32
      %dma_start3A_79 = tpu.memref_slice %arg8[%add3A_65, %dma_start3A] : memref<20480x64xf32, #tpu.memory_space<hbm>> -> memref<128x64xf32, #tpu.memory_space<hbm>>
      %dma_start3A_80 = arith.constant 0 : i32
      %dma_start3A_81 = tpu.memref_slice %arg8[%add3A_65, %dma_start3A_80] : memref<20480x64xf32, #tpu.memory_space<hbm>> -> memref<128x64xf32, #tpu.memory_space<hbm>>
      tpu.enqueue_dma source(%arg14 : memref<128x64xf32, #tpu.memory_space<vmem>>) target(%dma_start3A_81 : memref<128x64xf32, #tpu.memory_space<hbm>>) target_semaphore(%run_scoped3A : memref<!tpu.dma_semaphore, #tpu.memory_space<semaphore_mem>>)
      %dma_wait3A = arith.constant 0 : i32
      %dma_wait3A_82 = tpu.memref_slice %arg8[%add3A_65, %dma_wait3A] : memref<20480x64xf32, #tpu.memory_space<hbm>> -> memref<128x64xf32, #tpu.memory_space<hbm>>
      %dma_wait3A_83 = arith.constant 0 : i32
      %dma_wait3A_84 = tpu.memref_slice %arg8[%add3A_65, %dma_wait3A_83] : memref<20480x64xf32, #tpu.memory_space<hbm>> -> memref<128x64xf32, #tpu.memory_space<hbm>>
      tpu.wait_dma2 semaphore(%run_scoped3A : memref<!tpu.dma_semaphore, #tpu.memory_space<semaphore_mem>>) src(%arg14 : memref<128x64xf32, #tpu.memory_space<vmem>>) dst(%dma_wait3A_84 : memref<128x64xf32, #tpu.memory_space<hbm>>)
      tpu.yield
    }) : () -> ()
    "tpu.region"() ({
      %run_scoped3A = tpu.sem_alloc : memref<!tpu.dma_semaphore, #tpu.memory_space<semaphore_mem>>
      %dma_start3A = arith.constant 0 : i32
      %dma_start3A_79 = tpu.memref_slice %arg11[%add3A_62, %dma_start3A] : memref<10240x16xf32, #tpu.memory_space<vmem_shared>> -> memref<128x16xf32, #tpu.memory_space<vmem_shared>>
      %dma_start3A_80 = arith.constant 0 : i32
      %dma_start3A_81 = tpu.memref_slice %arg11[%add3A_62, %dma_start3A_80] : memref<10240x16xf32, #tpu.memory_space<vmem_shared>> -> memref<128x16xf32, #tpu.memory_space<vmem_shared>>
      tpu.enqueue_dma source(%dma_start3A_81 : memref<128x16xf32, #tpu.memory_space<vmem_shared>>) target(%arg15 : memref<128x16xf32, #tpu.memory_space<vmem>>) target_semaphore(%run_scoped3A : memref<!tpu.dma_semaphore, #tpu.memory_space<semaphore_mem>>)
      %dma_wait3A = arith.constant 0 : i32
      %dma_wait3A_82 = tpu.memref_slice %arg11[%add3A_62, %dma_wait3A] : memref<10240x16xf32, #tpu.memory_space<vmem_shared>> -> memref<128x16xf32, #tpu.memory_space<vmem_shared>>
      %dma_wait3A_83 = arith.constant 0 : i32
      %dma_wait3A_84 = tpu.memref_slice %arg11[%add3A_62, %dma_wait3A_83] : memref<10240x16xf32, #tpu.memory_space<vmem_shared>> -> memref<128x16xf32, #tpu.memory_space<vmem_shared>>
      tpu.wait_dma2 semaphore(%run_scoped3A : memref<!tpu.dma_semaphore, #tpu.memory_space<semaphore_mem>>) src(%dma_wait3A_84 : memref<128x16xf32, #tpu.memory_space<vmem_shared>>) dst(%arg15 : memref<128x16xf32, #tpu.memory_space<vmem>>)
      tpu.yield
    }) : () -> ()
    %mul3A_66 = arith.constant 10240 : i32
    %mul3A_67 = arith.muli %arg0, %mul3A_66 : i32
    %add3A_68 = arith.addi %mul3A_67, %add3A_62 : i32
    "tpu.region"() ({
      %run_scoped3A = tpu.sem_alloc : memref<!tpu.dma_semaphore, #tpu.memory_space<semaphore_mem>>
      %dma_start3A = arith.constant 0 : i32
      %dma_start3A_79 = tpu.memref_slice %arg9[%add3A_68, %dma_start3A] : memref<20480x16xf32, #tpu.memory_space<hbm>> -> memref<128x16xf32, #tpu.memory_space<hbm>>
      %dma_start3A_80 = arith.constant 0 : i32
      %dma_start3A_81 = tpu.memref_slice %arg9[%add3A_68, %dma_start3A_80] : memref<20480x16xf32, #tpu.memory_space<hbm>> -> memref<128x16xf32, #tpu.memory_space<hbm>>
      tpu.enqueue_dma source(%arg15 : memref<128x16xf32, #tpu.memory_space<vmem>>) target(%dma_start3A_81 : memref<128x16xf32, #tpu.memory_space<hbm>>) target_semaphore(%run_scoped3A : memref<!tpu.dma_semaphore, #tpu.memory_space<semaphore_mem>>)
      %dma_wait3A = arith.constant 0 : i32
      %dma_wait3A_82 = tpu.memref_slice %arg9[%add3A_68, %dma_wait3A] : memref<20480x16xf32, #tpu.memory_space<hbm>> -> memref<128x16xf32, #tpu.memory_space<hbm>>
      %dma_wait3A_83 = arith.constant 0 : i32
      %dma_wait3A_84 = tpu.memref_slice %arg9[%add3A_68, %dma_wait3A_83] : memref<20480x16xf32, #tpu.memory_space<hbm>> -> memref<128x16xf32, #tpu.memory_space<hbm>>
      tpu.wait_dma2 semaphore(%run_scoped3A : memref<!tpu.dma_semaphore, #tpu.memory_space<semaphore_mem>>) src(%arg15 : memref<128x16xf32, #tpu.memory_space<vmem>>) dst(%dma_wait3A_84 : memref<128x16xf32, #tpu.memory_space<hbm>>)
      tpu.yield
    }) : () -> ()
    %mul3A_69 = arith.constant 640 : i32
    %mul3A_70 = arith.muli %arg1, %mul3A_69 : i32
    %add3A_71 = arith.constant 512 : i32
    %add3A_72 = arith.addi %mul3A_70, %add3A_71 : i32
    "tpu.region"() ({
      %run_scoped3A = tpu.sem_alloc : memref<!tpu.dma_semaphore, #tpu.memory_space<semaphore_mem>>
      %dma_start3A = arith.constant 0 : i32
      %dma_start3A_79 = tpu.memref_slice %arg10[%add3A_72, %dma_start3A] : memref<10240x64xf32, #tpu.memory_space<vmem_shared>> -> memref<128x64xf32, #tpu.memory_space<vmem_shared>>
      %dma_start3A_80 = arith.constant 0 : i32
      %dma_start3A_81 = tpu.memref_slice %arg10[%add3A_72, %dma_start3A_80] : memref<10240x64xf32, #tpu.memory_space<vmem_shared>> -> memref<128x64xf32, #tpu.memory_space<vmem_shared>>
      tpu.enqueue_dma source(%dma_start3A_81 : memref<128x64xf32, #tpu.memory_space<vmem_shared>>) target(%arg14 : memref<128x64xf32, #tpu.memory_space<vmem>>) target_semaphore(%run_scoped3A : memref<!tpu.dma_semaphore, #tpu.memory_space<semaphore_mem>>)
      %dma_wait3A = arith.constant 0 : i32
      %dma_wait3A_82 = tpu.memref_slice %arg10[%add3A_72, %dma_wait3A] : memref<10240x64xf32, #tpu.memory_space<vmem_shared>> -> memref<128x64xf32, #tpu.memory_space<vmem_shared>>
      %dma_wait3A_83 = arith.constant 0 : i32
      %dma_wait3A_84 = tpu.memref_slice %arg10[%add3A_72, %dma_wait3A_83] : memref<10240x64xf32, #tpu.memory_space<vmem_shared>> -> memref<128x64xf32, #tpu.memory_space<vmem_shared>>
      tpu.wait_dma2 semaphore(%run_scoped3A : memref<!tpu.dma_semaphore, #tpu.memory_space<semaphore_mem>>) src(%dma_wait3A_84 : memref<128x64xf32, #tpu.memory_space<vmem_shared>>) dst(%arg14 : memref<128x64xf32, #tpu.memory_space<vmem>>)
      tpu.yield
    }) : () -> ()
    %mul3A_73 = arith.constant 10240 : i32
    %mul3A_74 = arith.muli %arg0, %mul3A_73 : i32
    %add3A_75 = arith.addi %mul3A_74, %add3A_72 : i32
    "tpu.region"() ({
      %run_scoped3A = tpu.sem_alloc : memref<!tpu.dma_semaphore, #tpu.memory_space<semaphore_mem>>
      %dma_start3A = arith.constant 0 : i32
      %dma_start3A_79 = tpu.memref_slice %arg8[%add3A_75, %dma_start3A] : memref<20480x64xf32, #tpu.memory_space<hbm>> -> memref<128x64xf32, #tpu.memory_space<hbm>>
      %dma_start3A_80 = arith.constant 0 : i32
      %dma_start3A_81 = tpu.memref_slice %arg8[%add3A_75, %dma_start3A_80] : memref<20480x64xf32, #tpu.memory_space<hbm>> -> memref<128x64xf32, #tpu.memory_space<hbm>>
      tpu.enqueue_dma source(%arg14 : memref<128x64xf32, #tpu.memory_space<vmem>>) target(%dma_start3A_81 : memref<128x64xf32, #tpu.memory_space<hbm>>) target_semaphore(%run_scoped3A : memref<!tpu.dma_semaphore, #tpu.memory_space<semaphore_mem>>)
      %dma_wait3A = arith.constant 0 : i32
      %dma_wait3A_82 = tpu.memref_slice %arg8[%add3A_75, %dma_wait3A] : memref<20480x64xf32, #tpu.memory_space<hbm>> -> memref<128x64xf32, #tpu.memory_space<hbm>>
      %dma_wait3A_83 = arith.constant 0 : i32
      %dma_wait3A_84 = tpu.memref_slice %arg8[%add3A_75, %dma_wait3A_83] : memref<20480x64xf32, #tpu.memory_space<hbm>> -> memref<128x64xf32, #tpu.memory_space<hbm>>
      tpu.wait_dma2 semaphore(%run_scoped3A : memref<!tpu.dma_semaphore, #tpu.memory_space<semaphore_mem>>) src(%arg14 : memref<128x64xf32, #tpu.memory_space<vmem>>) dst(%dma_wait3A_84 : memref<128x64xf32, #tpu.memory_space<hbm>>)
      tpu.yield
    }) : () -> ()
    "tpu.region"() ({
      %run_scoped3A = tpu.sem_alloc : memref<!tpu.dma_semaphore, #tpu.memory_space<semaphore_mem>>
      %dma_start3A = arith.constant 0 : i32
      %dma_start3A_79 = tpu.memref_slice %arg11[%add3A_72, %dma_start3A] : memref<10240x16xf32, #tpu.memory_space<vmem_shared>> -> memref<128x16xf32, #tpu.memory_space<vmem_shared>>
      %dma_start3A_80 = arith.constant 0 : i32
      %dma_start3A_81 = tpu.memref_slice %arg11[%add3A_72, %dma_start3A_80] : memref<10240x16xf32, #tpu.memory_space<vmem_shared>> -> memref<128x16xf32, #tpu.memory_space<vmem_shared>>
      tpu.enqueue_dma source(%dma_start3A_81 : memref<128x16xf32, #tpu.memory_space<vmem_shared>>) target(%arg15 : memref<128x16xf32, #tpu.memory_space<vmem>>) target_semaphore(%run_scoped3A : memref<!tpu.dma_semaphore, #tpu.memory_space<semaphore_mem>>)
      %dma_wait3A = arith.constant 0 : i32
      %dma_wait3A_82 = tpu.memref_slice %arg11[%add3A_72, %dma_wait3A] : memref<10240x16xf32, #tpu.memory_space<vmem_shared>> -> memref<128x16xf32, #tpu.memory_space<vmem_shared>>
      %dma_wait3A_83 = arith.constant 0 : i32
      %dma_wait3A_84 = tpu.memref_slice %arg11[%add3A_72, %dma_wait3A_83] : memref<10240x16xf32, #tpu.memory_space<vmem_shared>> -> memref<128x16xf32, #tpu.memory_space<vmem_shared>>
      tpu.wait_dma2 semaphore(%run_scoped3A : memref<!tpu.dma_semaphore, #tpu.memory_space<semaphore_mem>>) src(%dma_wait3A_84 : memref<128x16xf32, #tpu.memory_space<vmem_shared>>) dst(%arg15 : memref<128x16xf32, #tpu.memory_space<vmem>>)
      tpu.yield
    }) : () -> ()
    %mul3A_76 = arith.constant 10240 : i32
    %mul3A_77 = arith.muli %arg0, %mul3A_76 : i32
    %add3A_78 = arith.addi %mul3A_77, %add3A_72 : i32
    "tpu.region"() ({
      %run_scoped3A = tpu.sem_alloc : memref<!tpu.dma_semaphore, #tpu.memory_space<semaphore_mem>>
      %dma_start3A = arith.constant 0 : i32
      %dma_start3A_79 = tpu.memref_slice %arg9[%add3A_78, %dma_start3A] : memref<20480x16xf32, #tpu.memory_space<hbm>> -> memref<128x16xf32, #tpu.memory_space<hbm>>
      %dma_start3A_80 = arith.constant 0 : i32
      %dma_start3A_81 = tpu.memref_slice %arg9[%add3A_78, %dma_start3A_80] : memref<20480x16xf32, #tpu.memory_space<hbm>> -> memref<128x16xf32, #tpu.memory_space<hbm>>
      tpu.enqueue_dma source(%arg15 : memref<128x16xf32, #tpu.memory_space<vmem>>) target(%dma_start3A_81 : memref<128x16xf32, #tpu.memory_space<hbm>>) target_semaphore(%run_scoped3A : memref<!tpu.dma_semaphore, #tpu.memory_space<semaphore_mem>>)
      %dma_wait3A = arith.constant 0 : i32
      %dma_wait3A_82 = tpu.memref_slice %arg9[%add3A_78, %dma_wait3A] : memref<20480x16xf32, #tpu.memory_space<hbm>> -> memref<128x16xf32, #tpu.memory_space<hbm>>
      %dma_wait3A_83 = arith.constant 0 : i32
      %dma_wait3A_84 = tpu.memref_slice %arg9[%add3A_78, %dma_wait3A_83] : memref<20480x16xf32, #tpu.memory_space<hbm>> -> memref<128x16xf32, #tpu.memory_space<hbm>>
      tpu.wait_dma2 semaphore(%run_scoped3A : memref<!tpu.dma_semaphore, #tpu.memory_space<semaphore_mem>>) src(%arg15 : memref<128x16xf32, #tpu.memory_space<vmem>>) dst(%dma_wait3A_84 : memref<128x16xf32, #tpu.memory_space<hbm>>)
      tpu.yield
    }) : () -> ()
    return
  }
}

#map = affine_map<(d0, d1) -> (0, 0)>
module attributes {stable_mosaic.version = 14 : i64} {
  func.func @_sc_edge_body(%arg0: i32, %arg1: i32, %arg2: memref<10000x32xf32, #tpu.memory_space<hbm>>, %arg3: memref<2560x128xi32, #tpu.memory_space<hbm>>, %arg4: memref<2560x128xi32, #tpu.memory_space<hbm>>, %arg5: memref<128x32xf32, #tpu.memory_space<hbm>>, %arg6: memref<20480x32xf32, #tpu.memory_space<hbm>>, %arg7: memref<10240x32xf32, #tpu.memory_space<vmem_shared>>, %arg8: memref<80x128xi32, #tpu.memory_space<vmem>>, %arg9: memref<80x128xi32, #tpu.memory_space<vmem>>, %arg10: memref<128x32xf32, #tpu.memory_space<vmem>>, %arg11: memref<!tpu.dma_semaphore, #tpu.memory_space<semaphore_mem>>) attributes {dimension_semantics = [#tpu.dimension_semantics<core_parallel>, #tpu.dimension_semantics<subcore_parallel>], iteration_bounds = array<i64: 2, 16>, scalar_prefetch = 0 : i64, scratch_operands = 5 : i64, tpu.core_type = #tpu.core_type<sc_vector_subcore>, window_params = [{transform_indices = #map}, {transform_indices = #map}, {transform_indices = #map}, {transform_indices = #map}, {transform_indices = #map}]} {
    %mul3A = arith.constant 2 : i32
    %mul3A_0 = arith.muli %arg1, %mul3A : i32
    %add3A = arith.addi %mul3A_0, %arg0 : i32
    "tpu.region"() ({
      %run_scoped3A = tpu.sem_alloc : memref<!tpu.dma_semaphore, #tpu.memory_space<semaphore_mem>>
      tpu.enqueue_dma source(%arg5 : memref<128x32xf32, #tpu.memory_space<hbm>>) target(%arg10 : memref<128x32xf32, #tpu.memory_space<vmem>>) target_semaphore(%run_scoped3A : memref<!tpu.dma_semaphore, #tpu.memory_space<semaphore_mem>>)
      tpu.wait_dma2 semaphore(%run_scoped3A : memref<!tpu.dma_semaphore, #tpu.memory_space<semaphore_mem>>) src(%arg5 : memref<128x32xf32, #tpu.memory_space<hbm>>) dst(%arg10 : memref<128x32xf32, #tpu.memory_space<vmem>>)
      tpu.yield
    }) : () -> ()
    %mul3A_1 = arith.constant 640 : i32
    %mul3A_2 = arith.muli %arg1, %mul3A_1 : i32
    %add3A_3 = arith.constant 0 : i32
    %add3A_4 = arith.addi %mul3A_2, %add3A_3 : i32
    "tpu.region"() ({
      %run_scoped3A = tpu.sem_alloc : memref<!tpu.dma_semaphore, #tpu.memory_space<semaphore_mem>>
      %dma_start3A = arith.constant 0 : i32
      %dma_start3A_64 = tpu.memref_slice %arg7[%add3A_4, %dma_start3A] : memref<10240x32xf32, #tpu.memory_space<vmem_shared>> -> memref<128x32xf32, #tpu.memory_space<vmem_shared>>
      %dma_start3A_65 = arith.constant 0 : i32
      %dma_start3A_66 = tpu.memref_slice %arg7[%add3A_4, %dma_start3A_65] : memref<10240x32xf32, #tpu.memory_space<vmem_shared>> -> memref<128x32xf32, #tpu.memory_space<vmem_shared>>
      tpu.enqueue_dma source(%arg10 : memref<128x32xf32, #tpu.memory_space<vmem>>) target(%dma_start3A_66 : memref<128x32xf32, #tpu.memory_space<vmem_shared>>) target_semaphore(%run_scoped3A : memref<!tpu.dma_semaphore, #tpu.memory_space<semaphore_mem>>)
      %dma_wait3A = arith.constant 0 : i32
      %dma_wait3A_67 = tpu.memref_slice %arg7[%add3A_4, %dma_wait3A] : memref<10240x32xf32, #tpu.memory_space<vmem_shared>> -> memref<128x32xf32, #tpu.memory_space<vmem_shared>>
      %dma_wait3A_68 = arith.constant 0 : i32
      %dma_wait3A_69 = tpu.memref_slice %arg7[%add3A_4, %dma_wait3A_68] : memref<10240x32xf32, #tpu.memory_space<vmem_shared>> -> memref<128x32xf32, #tpu.memory_space<vmem_shared>>
      tpu.wait_dma2 semaphore(%run_scoped3A : memref<!tpu.dma_semaphore, #tpu.memory_space<semaphore_mem>>) src(%arg10 : memref<128x32xf32, #tpu.memory_space<vmem>>) dst(%dma_wait3A_69 : memref<128x32xf32, #tpu.memory_space<vmem_shared>>)
      tpu.yield
    }) : () -> ()
    %mul3A_5 = arith.constant 640 : i32
    %mul3A_6 = arith.muli %arg1, %mul3A_5 : i32
    %add3A_7 = arith.constant 128 : i32
    %add3A_8 = arith.addi %mul3A_6, %add3A_7 : i32
    "tpu.region"() ({
      %run_scoped3A = tpu.sem_alloc : memref<!tpu.dma_semaphore, #tpu.memory_space<semaphore_mem>>
      %dma_start3A = arith.constant 0 : i32
      %dma_start3A_64 = tpu.memref_slice %arg7[%add3A_8, %dma_start3A] : memref<10240x32xf32, #tpu.memory_space<vmem_shared>> -> memref<128x32xf32, #tpu.memory_space<vmem_shared>>
      %dma_start3A_65 = arith.constant 0 : i32
      %dma_start3A_66 = tpu.memref_slice %arg7[%add3A_8, %dma_start3A_65] : memref<10240x32xf32, #tpu.memory_space<vmem_shared>> -> memref<128x32xf32, #tpu.memory_space<vmem_shared>>
      tpu.enqueue_dma source(%arg10 : memref<128x32xf32, #tpu.memory_space<vmem>>) target(%dma_start3A_66 : memref<128x32xf32, #tpu.memory_space<vmem_shared>>) target_semaphore(%run_scoped3A : memref<!tpu.dma_semaphore, #tpu.memory_space<semaphore_mem>>)
      %dma_wait3A = arith.constant 0 : i32
      %dma_wait3A_67 = tpu.memref_slice %arg7[%add3A_8, %dma_wait3A] : memref<10240x32xf32, #tpu.memory_space<vmem_shared>> -> memref<128x32xf32, #tpu.memory_space<vmem_shared>>
      %dma_wait3A_68 = arith.constant 0 : i32
      %dma_wait3A_69 = tpu.memref_slice %arg7[%add3A_8, %dma_wait3A_68] : memref<10240x32xf32, #tpu.memory_space<vmem_shared>> -> memref<128x32xf32, #tpu.memory_space<vmem_shared>>
      tpu.wait_dma2 semaphore(%run_scoped3A : memref<!tpu.dma_semaphore, #tpu.memory_space<semaphore_mem>>) src(%arg10 : memref<128x32xf32, #tpu.memory_space<vmem>>) dst(%dma_wait3A_69 : memref<128x32xf32, #tpu.memory_space<vmem_shared>>)
      tpu.yield
    }) : () -> ()
    %mul3A_9 = arith.constant 640 : i32
    %mul3A_10 = arith.muli %arg1, %mul3A_9 : i32
    %add3A_11 = arith.constant 256 : i32
    %add3A_12 = arith.addi %mul3A_10, %add3A_11 : i32
    "tpu.region"() ({
      %run_scoped3A = tpu.sem_alloc : memref<!tpu.dma_semaphore, #tpu.memory_space<semaphore_mem>>
      %dma_start3A = arith.constant 0 : i32
      %dma_start3A_64 = tpu.memref_slice %arg7[%add3A_12, %dma_start3A] : memref<10240x32xf32, #tpu.memory_space<vmem_shared>> -> memref<128x32xf32, #tpu.memory_space<vmem_shared>>
      %dma_start3A_65 = arith.constant 0 : i32
      %dma_start3A_66 = tpu.memref_slice %arg7[%add3A_12, %dma_start3A_65] : memref<10240x32xf32, #tpu.memory_space<vmem_shared>> -> memref<128x32xf32, #tpu.memory_space<vmem_shared>>
      tpu.enqueue_dma source(%arg10 : memref<128x32xf32, #tpu.memory_space<vmem>>) target(%dma_start3A_66 : memref<128x32xf32, #tpu.memory_space<vmem_shared>>) target_semaphore(%run_scoped3A : memref<!tpu.dma_semaphore, #tpu.memory_space<semaphore_mem>>)
      %dma_wait3A = arith.constant 0 : i32
      %dma_wait3A_67 = tpu.memref_slice %arg7[%add3A_12, %dma_wait3A] : memref<10240x32xf32, #tpu.memory_space<vmem_shared>> -> memref<128x32xf32, #tpu.memory_space<vmem_shared>>
      %dma_wait3A_68 = arith.constant 0 : i32
      %dma_wait3A_69 = tpu.memref_slice %arg7[%add3A_12, %dma_wait3A_68] : memref<10240x32xf32, #tpu.memory_space<vmem_shared>> -> memref<128x32xf32, #tpu.memory_space<vmem_shared>>
      tpu.wait_dma2 semaphore(%run_scoped3A : memref<!tpu.dma_semaphore, #tpu.memory_space<semaphore_mem>>) src(%arg10 : memref<128x32xf32, #tpu.memory_space<vmem>>) dst(%dma_wait3A_69 : memref<128x32xf32, #tpu.memory_space<vmem_shared>>)
      tpu.yield
    }) : () -> ()
    %mul3A_13 = arith.constant 640 : i32
    %mul3A_14 = arith.muli %arg1, %mul3A_13 : i32
    %add3A_15 = arith.constant 384 : i32
    %add3A_16 = arith.addi %mul3A_14, %add3A_15 : i32
    "tpu.region"() ({
      %run_scoped3A = tpu.sem_alloc : memref<!tpu.dma_semaphore, #tpu.memory_space<semaphore_mem>>
      %dma_start3A = arith.constant 0 : i32
      %dma_start3A_64 = tpu.memref_slice %arg7[%add3A_16, %dma_start3A] : memref<10240x32xf32, #tpu.memory_space<vmem_shared>> -> memref<128x32xf32, #tpu.memory_space<vmem_shared>>
      %dma_start3A_65 = arith.constant 0 : i32
      %dma_start3A_66 = tpu.memref_slice %arg7[%add3A_16, %dma_start3A_65] : memref<10240x32xf32, #tpu.memory_space<vmem_shared>> -> memref<128x32xf32, #tpu.memory_space<vmem_shared>>
      tpu.enqueue_dma source(%arg10 : memref<128x32xf32, #tpu.memory_space<vmem>>) target(%dma_start3A_66 : memref<128x32xf32, #tpu.memory_space<vmem_shared>>) target_semaphore(%run_scoped3A : memref<!tpu.dma_semaphore, #tpu.memory_space<semaphore_mem>>)
      %dma_wait3A = arith.constant 0 : i32
      %dma_wait3A_67 = tpu.memref_slice %arg7[%add3A_16, %dma_wait3A] : memref<10240x32xf32, #tpu.memory_space<vmem_shared>> -> memref<128x32xf32, #tpu.memory_space<vmem_shared>>
      %dma_wait3A_68 = arith.constant 0 : i32
      %dma_wait3A_69 = tpu.memref_slice %arg7[%add3A_16, %dma_wait3A_68] : memref<10240x32xf32, #tpu.memory_space<vmem_shared>> -> memref<128x32xf32, #tpu.memory_space<vmem_shared>>
      tpu.wait_dma2 semaphore(%run_scoped3A : memref<!tpu.dma_semaphore, #tpu.memory_space<semaphore_mem>>) src(%arg10 : memref<128x32xf32, #tpu.memory_space<vmem>>) dst(%dma_wait3A_69 : memref<128x32xf32, #tpu.memory_space<vmem_shared>>)
      tpu.yield
    }) : () -> ()
    %mul3A_17 = arith.constant 640 : i32
    %mul3A_18 = arith.muli %arg1, %mul3A_17 : i32
    %add3A_19 = arith.constant 512 : i32
    %add3A_20 = arith.addi %mul3A_18, %add3A_19 : i32
    "tpu.region"() ({
      %run_scoped3A = tpu.sem_alloc : memref<!tpu.dma_semaphore, #tpu.memory_space<semaphore_mem>>
      %dma_start3A = arith.constant 0 : i32
      %dma_start3A_64 = tpu.memref_slice %arg7[%add3A_20, %dma_start3A] : memref<10240x32xf32, #tpu.memory_space<vmem_shared>> -> memref<128x32xf32, #tpu.memory_space<vmem_shared>>
      %dma_start3A_65 = arith.constant 0 : i32
      %dma_start3A_66 = tpu.memref_slice %arg7[%add3A_20, %dma_start3A_65] : memref<10240x32xf32, #tpu.memory_space<vmem_shared>> -> memref<128x32xf32, #tpu.memory_space<vmem_shared>>
      tpu.enqueue_dma source(%arg10 : memref<128x32xf32, #tpu.memory_space<vmem>>) target(%dma_start3A_66 : memref<128x32xf32, #tpu.memory_space<vmem_shared>>) target_semaphore(%run_scoped3A : memref<!tpu.dma_semaphore, #tpu.memory_space<semaphore_mem>>)
      %dma_wait3A = arith.constant 0 : i32
      %dma_wait3A_67 = tpu.memref_slice %arg7[%add3A_20, %dma_wait3A] : memref<10240x32xf32, #tpu.memory_space<vmem_shared>> -> memref<128x32xf32, #tpu.memory_space<vmem_shared>>
      %dma_wait3A_68 = arith.constant 0 : i32
      %dma_wait3A_69 = tpu.memref_slice %arg7[%add3A_20, %dma_wait3A_68] : memref<10240x32xf32, #tpu.memory_space<vmem_shared>> -> memref<128x32xf32, #tpu.memory_space<vmem_shared>>
      tpu.wait_dma2 semaphore(%run_scoped3A : memref<!tpu.dma_semaphore, #tpu.memory_space<semaphore_mem>>) src(%arg10 : memref<128x32xf32, #tpu.memory_space<vmem>>) dst(%dma_wait3A_69 : memref<128x32xf32, #tpu.memory_space<vmem_shared>>)
      tpu.yield
    }) : () -> ()
    %mul3A_21 = arith.constant 80 : i32
    %mul3A_22 = arith.muli %mul3A_21, %add3A : i32
    "tpu.region"() ({
      %run_scoped3A = tpu.sem_alloc : memref<!tpu.dma_semaphore, #tpu.memory_space<semaphore_mem>>
      %dma_start3A = arith.constant 0 : i32
      %dma_start3A_64 = tpu.memref_slice %arg3[%mul3A_22, %dma_start3A] : memref<2560x128xi32, #tpu.memory_space<hbm>> -> memref<80x128xi32, #tpu.memory_space<hbm>>
      %dma_start3A_65 = arith.constant 0 : i32
      %dma_start3A_66 = tpu.memref_slice %arg3[%mul3A_22, %dma_start3A_65] : memref<2560x128xi32, #tpu.memory_space<hbm>> -> memref<80x128xi32, #tpu.memory_space<hbm>>
      tpu.enqueue_dma source(%dma_start3A_66 : memref<80x128xi32, #tpu.memory_space<hbm>>) target(%arg8 : memref<80x128xi32, #tpu.memory_space<vmem>>) target_semaphore(%run_scoped3A : memref<!tpu.dma_semaphore, #tpu.memory_space<semaphore_mem>>)
      %dma_wait3A = arith.constant 0 : i32
      %dma_wait3A_67 = tpu.memref_slice %arg3[%mul3A_22, %dma_wait3A] : memref<2560x128xi32, #tpu.memory_space<hbm>> -> memref<80x128xi32, #tpu.memory_space<hbm>>
      %dma_wait3A_68 = arith.constant 0 : i32
      %dma_wait3A_69 = tpu.memref_slice %arg3[%mul3A_22, %dma_wait3A_68] : memref<2560x128xi32, #tpu.memory_space<hbm>> -> memref<80x128xi32, #tpu.memory_space<hbm>>
      tpu.wait_dma2 semaphore(%run_scoped3A : memref<!tpu.dma_semaphore, #tpu.memory_space<semaphore_mem>>) src(%dma_wait3A_69 : memref<80x128xi32, #tpu.memory_space<hbm>>) dst(%arg8 : memref<80x128xi32, #tpu.memory_space<vmem>>)
      tpu.yield
    }) : () -> ()
    "tpu.region"() ({
      %run_scoped3A = tpu.sem_alloc : memref<!tpu.dma_semaphore, #tpu.memory_space<semaphore_mem>>
      %dma_start3A = arith.constant 0 : i32
      %dma_start3A_64 = tpu.memref_slice %arg4[%mul3A_22, %dma_start3A] : memref<2560x128xi32, #tpu.memory_space<hbm>> -> memref<80x128xi32, #tpu.memory_space<hbm>>
      %dma_start3A_65 = arith.constant 0 : i32
      %dma_start3A_66 = tpu.memref_slice %arg4[%mul3A_22, %dma_start3A_65] : memref<2560x128xi32, #tpu.memory_space<hbm>> -> memref<80x128xi32, #tpu.memory_space<hbm>>
      tpu.enqueue_dma source(%dma_start3A_66 : memref<80x128xi32, #tpu.memory_space<hbm>>) target(%arg9 : memref<80x128xi32, #tpu.memory_space<vmem>>) target_semaphore(%run_scoped3A : memref<!tpu.dma_semaphore, #tpu.memory_space<semaphore_mem>>)
      %dma_wait3A = arith.constant 0 : i32
      %dma_wait3A_67 = tpu.memref_slice %arg4[%mul3A_22, %dma_wait3A] : memref<2560x128xi32, #tpu.memory_space<hbm>> -> memref<80x128xi32, #tpu.memory_space<hbm>>
      %dma_wait3A_68 = arith.constant 0 : i32
      %dma_wait3A_69 = tpu.memref_slice %arg4[%mul3A_22, %dma_wait3A_68] : memref<2560x128xi32, #tpu.memory_space<hbm>> -> memref<80x128xi32, #tpu.memory_space<hbm>>
      tpu.wait_dma2 semaphore(%run_scoped3A : memref<!tpu.dma_semaphore, #tpu.memory_space<semaphore_mem>>) src(%dma_wait3A_69 : memref<80x128xi32, #tpu.memory_space<hbm>>) dst(%arg9 : memref<80x128xi32, #tpu.memory_space<vmem>>)
      tpu.yield
    }) : () -> ()
    %barrier3A = arith.constant 0 : index
    tpu.barrier barrier_id(%barrier3A)
    %scan3A = arith.constant 0 : i32
    %scan3A_23 = arith.constant 0 : i32
    %scan3A_24 = arith.constant 80 : i32
    %scan3A_25 = arith.addi %scan3A_23, %scan3A_24 : i32
    %scan3A_26 = arith.constant 1 : i32
    scf.for %scan3A_64 = %scan3A_23 to %scan3A_25 step %scan3A_26  : i32 {
      %dma_start3A = arith.constant 0 : i32
      %dma_start3A_65 = tpu.memref_slice %arg8[%scan3A_64, %dma_start3A] : memref<80x128xi32, #tpu.memory_space<vmem>> -> memref<1x128xi32, #tpu.memory_space<vmem>>
      %dma_start3A_66 = tpu.memref_squeeze %dma_start3A_65 : memref<1x128xi32, #tpu.memory_space<vmem>> -> memref<128xi32, #tpu.memory_space<vmem>>
      %dma_start3A_67 = arith.constant 0 : i32
      %dma_start3A_68 = arith.constant 0 : i32
      %dma_start3A_69 = tpu.memref_slice %arg2[%dma_start3A_67, %dma_start3A_68] : memref<10000x32xf32, #tpu.memory_space<hbm>> -> memref<10000x32xf32, #tpu.memory_space<hbm>>
      tpu.enqueue_indirect_dma source(%dma_start3A_69 : memref<10000x32xf32, #tpu.memory_space<hbm>>) target(%arg10 : memref<128x32xf32, #tpu.memory_space<vmem>>) offsets(%dma_start3A_66 : memref<128xi32, #tpu.memory_space<vmem>>) semaphore(%arg11 : memref<!tpu.dma_semaphore, #tpu.memory_space<semaphore_mem>>)
      %dma_wait3A = arith.constant 0 : i32
      %dma_wait3A_70 = tpu.memref_slice %arg8[%scan3A_64, %dma_wait3A] : memref<80x128xi32, #tpu.memory_space<vmem>> -> memref<1x128xi32, #tpu.memory_space<vmem>>
      %dma_wait3A_71 = tpu.memref_squeeze %dma_wait3A_70 : memref<1x128xi32, #tpu.memory_space<vmem>> -> memref<128xi32, #tpu.memory_space<vmem>>
      %dma_wait3A_72 = arith.constant 0 : i32
      %dma_wait3A_73 = arith.constant 0 : i32
      %dma_wait3A_74 = tpu.memref_slice %arg2[%dma_wait3A_72, %dma_wait3A_73] : memref<10000x32xf32, #tpu.memory_space<hbm>> -> memref<10000x32xf32, #tpu.memory_space<hbm>>
      tpu.wait_indirect_dma semaphore(%arg11 : memref<!tpu.dma_semaphore, #tpu.memory_space<semaphore_mem>>) src(%dma_wait3A_74 : memref<10000x32xf32, #tpu.memory_space<hbm>>) dst(%arg10 : memref<128x32xf32, #tpu.memory_space<vmem>>)
      "tpu.region"() ({
        %run_scoped3A = tpu.sem_alloc : memref<!tpu.dma_semaphore, #tpu.memory_space<semaphore_mem>>
        %dma_start3A_75 = arith.constant 0 : i32
        %dma_start3A_76 = tpu.memref_slice %arg9[%scan3A_64, %dma_start3A_75] : memref<80x128xi32, #tpu.memory_space<vmem>> -> memref<1x128xi32, #tpu.memory_space<vmem>>
        %dma_start3A_77 = tpu.memref_squeeze %dma_start3A_76 : memref<1x128xi32, #tpu.memory_space<vmem>> -> memref<128xi32, #tpu.memory_space<vmem>>
        %dma_start3A_78 = arith.constant 0 : i32
        %dma_start3A_79 = arith.constant 0 : i32
        %dma_start3A_80 = tpu.memref_slice %arg7[%dma_start3A_78, %dma_start3A_79] : memref<10240x32xf32, #tpu.memory_space<vmem_shared>> -> memref<10240x32xf32, #tpu.memory_space<vmem_shared>>
        tpu.enqueue_indirect_dma source(%arg10 : memref<128x32xf32, #tpu.memory_space<vmem>>) target(%dma_start3A_80 : memref<10240x32xf32, #tpu.memory_space<vmem_shared>>) offsets(%dma_start3A_77 : memref<128xi32, #tpu.memory_space<vmem>>) semaphore(%run_scoped3A : memref<!tpu.dma_semaphore, #tpu.memory_space<semaphore_mem>>) {add = true}
        %dma_wait3A_81 = arith.constant 0 : i32
        %dma_wait3A_82 = tpu.memref_slice %arg9[%scan3A_64, %dma_wait3A_81] : memref<80x128xi32, #tpu.memory_space<vmem>> -> memref<1x128xi32, #tpu.memory_space<vmem>>
        %dma_wait3A_83 = tpu.memref_squeeze %dma_wait3A_82 : memref<1x128xi32, #tpu.memory_space<vmem>> -> memref<128xi32, #tpu.memory_space<vmem>>
        %dma_wait3A_84 = arith.constant 0 : i32
        %dma_wait3A_85 = arith.constant 0 : i32
        %dma_wait3A_86 = tpu.memref_slice %arg7[%dma_wait3A_84, %dma_wait3A_85] : memref<10240x32xf32, #tpu.memory_space<vmem_shared>> -> memref<10240x32xf32, #tpu.memory_space<vmem_shared>>
        tpu.wait_indirect_dma semaphore(%run_scoped3A : memref<!tpu.dma_semaphore, #tpu.memory_space<semaphore_mem>>) src(%arg10 : memref<128x32xf32, #tpu.memory_space<vmem>>) dst(%dma_wait3A_86 : memref<10240x32xf32, #tpu.memory_space<vmem_shared>>)
        tpu.yield
      }) : () -> ()
    }
    %scan3A_27 = arith.constant 80 : i32
    %barrier3A_28 = arith.constant 0 : index
    tpu.barrier barrier_id(%barrier3A_28)
    %mul3A_29 = arith.constant 640 : i32
    %mul3A_30 = arith.muli %arg1, %mul3A_29 : i32
    %add3A_31 = arith.constant 0 : i32
    %add3A_32 = arith.addi %mul3A_30, %add3A_31 : i32
    "tpu.region"() ({
      %run_scoped3A = tpu.sem_alloc : memref<!tpu.dma_semaphore, #tpu.memory_space<semaphore_mem>>
      %dma_start3A = arith.constant 0 : i32
      %dma_start3A_64 = tpu.memref_slice %arg7[%add3A_32, %dma_start3A] : memref<10240x32xf32, #tpu.memory_space<vmem_shared>> -> memref<128x32xf32, #tpu.memory_space<vmem_shared>>
      %dma_start3A_65 = arith.constant 0 : i32
      %dma_start3A_66 = tpu.memref_slice %arg7[%add3A_32, %dma_start3A_65] : memref<10240x32xf32, #tpu.memory_space<vmem_shared>> -> memref<128x32xf32, #tpu.memory_space<vmem_shared>>
      tpu.enqueue_dma source(%dma_start3A_66 : memref<128x32xf32, #tpu.memory_space<vmem_shared>>) target(%arg10 : memref<128x32xf32, #tpu.memory_space<vmem>>) target_semaphore(%run_scoped3A : memref<!tpu.dma_semaphore, #tpu.memory_space<semaphore_mem>>)
      %dma_wait3A = arith.constant 0 : i32
      %dma_wait3A_67 = tpu.memref_slice %arg7[%add3A_32, %dma_wait3A] : memref<10240x32xf32, #tpu.memory_space<vmem_shared>> -> memref<128x32xf32, #tpu.memory_space<vmem_shared>>
      %dma_wait3A_68 = arith.constant 0 : i32
      %dma_wait3A_69 = tpu.memref_slice %arg7[%add3A_32, %dma_wait3A_68] : memref<10240x32xf32, #tpu.memory_space<vmem_shared>> -> memref<128x32xf32, #tpu.memory_space<vmem_shared>>
      tpu.wait_dma2 semaphore(%run_scoped3A : memref<!tpu.dma_semaphore, #tpu.memory_space<semaphore_mem>>) src(%dma_wait3A_69 : memref<128x32xf32, #tpu.memory_space<vmem_shared>>) dst(%arg10 : memref<128x32xf32, #tpu.memory_space<vmem>>)
      tpu.yield
    }) : () -> ()
    %mul3A_33 = arith.constant 10240 : i32
    %mul3A_34 = arith.muli %arg0, %mul3A_33 : i32
    %add3A_35 = arith.addi %mul3A_34, %add3A_32 : i32
    "tpu.region"() ({
      %run_scoped3A = tpu.sem_alloc : memref<!tpu.dma_semaphore, #tpu.memory_space<semaphore_mem>>
      %dma_start3A = arith.constant 0 : i32
      %dma_start3A_64 = tpu.memref_slice %arg6[%add3A_35, %dma_start3A] : memref<20480x32xf32, #tpu.memory_space<hbm>> -> memref<128x32xf32, #tpu.memory_space<hbm>>
      %dma_start3A_65 = arith.constant 0 : i32
      %dma_start3A_66 = tpu.memref_slice %arg6[%add3A_35, %dma_start3A_65] : memref<20480x32xf32, #tpu.memory_space<hbm>> -> memref<128x32xf32, #tpu.memory_space<hbm>>
      tpu.enqueue_dma source(%arg10 : memref<128x32xf32, #tpu.memory_space<vmem>>) target(%dma_start3A_66 : memref<128x32xf32, #tpu.memory_space<hbm>>) target_semaphore(%run_scoped3A : memref<!tpu.dma_semaphore, #tpu.memory_space<semaphore_mem>>)
      %dma_wait3A = arith.constant 0 : i32
      %dma_wait3A_67 = tpu.memref_slice %arg6[%add3A_35, %dma_wait3A] : memref<20480x32xf32, #tpu.memory_space<hbm>> -> memref<128x32xf32, #tpu.memory_space<hbm>>
      %dma_wait3A_68 = arith.constant 0 : i32
      %dma_wait3A_69 = tpu.memref_slice %arg6[%add3A_35, %dma_wait3A_68] : memref<20480x32xf32, #tpu.memory_space<hbm>> -> memref<128x32xf32, #tpu.memory_space<hbm>>
      tpu.wait_dma2 semaphore(%run_scoped3A : memref<!tpu.dma_semaphore, #tpu.memory_space<semaphore_mem>>) src(%arg10 : memref<128x32xf32, #tpu.memory_space<vmem>>) dst(%dma_wait3A_69 : memref<128x32xf32, #tpu.memory_space<hbm>>)
      tpu.yield
    }) : () -> ()
    %mul3A_36 = arith.constant 640 : i32
    %mul3A_37 = arith.muli %arg1, %mul3A_36 : i32
    %add3A_38 = arith.constant 128 : i32
    %add3A_39 = arith.addi %mul3A_37, %add3A_38 : i32
    "tpu.region"() ({
      %run_scoped3A = tpu.sem_alloc : memref<!tpu.dma_semaphore, #tpu.memory_space<semaphore_mem>>
      %dma_start3A = arith.constant 0 : i32
      %dma_start3A_64 = tpu.memref_slice %arg7[%add3A_39, %dma_start3A] : memref<10240x32xf32, #tpu.memory_space<vmem_shared>> -> memref<128x32xf32, #tpu.memory_space<vmem_shared>>
      %dma_start3A_65 = arith.constant 0 : i32
      %dma_start3A_66 = tpu.memref_slice %arg7[%add3A_39, %dma_start3A_65] : memref<10240x32xf32, #tpu.memory_space<vmem_shared>> -> memref<128x32xf32, #tpu.memory_space<vmem_shared>>
      tpu.enqueue_dma source(%dma_start3A_66 : memref<128x32xf32, #tpu.memory_space<vmem_shared>>) target(%arg10 : memref<128x32xf32, #tpu.memory_space<vmem>>) target_semaphore(%run_scoped3A : memref<!tpu.dma_semaphore, #tpu.memory_space<semaphore_mem>>)
      %dma_wait3A = arith.constant 0 : i32
      %dma_wait3A_67 = tpu.memref_slice %arg7[%add3A_39, %dma_wait3A] : memref<10240x32xf32, #tpu.memory_space<vmem_shared>> -> memref<128x32xf32, #tpu.memory_space<vmem_shared>>
      %dma_wait3A_68 = arith.constant 0 : i32
      %dma_wait3A_69 = tpu.memref_slice %arg7[%add3A_39, %dma_wait3A_68] : memref<10240x32xf32, #tpu.memory_space<vmem_shared>> -> memref<128x32xf32, #tpu.memory_space<vmem_shared>>
      tpu.wait_dma2 semaphore(%run_scoped3A : memref<!tpu.dma_semaphore, #tpu.memory_space<semaphore_mem>>) src(%dma_wait3A_69 : memref<128x32xf32, #tpu.memory_space<vmem_shared>>) dst(%arg10 : memref<128x32xf32, #tpu.memory_space<vmem>>)
      tpu.yield
    }) : () -> ()
    %mul3A_40 = arith.constant 10240 : i32
    %mul3A_41 = arith.muli %arg0, %mul3A_40 : i32
    %add3A_42 = arith.addi %mul3A_41, %add3A_39 : i32
    "tpu.region"() ({
      %run_scoped3A = tpu.sem_alloc : memref<!tpu.dma_semaphore, #tpu.memory_space<semaphore_mem>>
      %dma_start3A = arith.constant 0 : i32
      %dma_start3A_64 = tpu.memref_slice %arg6[%add3A_42, %dma_start3A] : memref<20480x32xf32, #tpu.memory_space<hbm>> -> memref<128x32xf32, #tpu.memory_space<hbm>>
      %dma_start3A_65 = arith.constant 0 : i32
      %dma_start3A_66 = tpu.memref_slice %arg6[%add3A_42, %dma_start3A_65] : memref<20480x32xf32, #tpu.memory_space<hbm>> -> memref<128x32xf32, #tpu.memory_space<hbm>>
      tpu.enqueue_dma source(%arg10 : memref<128x32xf32, #tpu.memory_space<vmem>>) target(%dma_start3A_66 : memref<128x32xf32, #tpu.memory_space<hbm>>) target_semaphore(%run_scoped3A : memref<!tpu.dma_semaphore, #tpu.memory_space<semaphore_mem>>)
      %dma_wait3A = arith.constant 0 : i32
      %dma_wait3A_67 = tpu.memref_slice %arg6[%add3A_42, %dma_wait3A] : memref<20480x32xf32, #tpu.memory_space<hbm>> -> memref<128x32xf32, #tpu.memory_space<hbm>>
      %dma_wait3A_68 = arith.constant 0 : i32
      %dma_wait3A_69 = tpu.memref_slice %arg6[%add3A_42, %dma_wait3A_68] : memref<20480x32xf32, #tpu.memory_space<hbm>> -> memref<128x32xf32, #tpu.memory_space<hbm>>
      tpu.wait_dma2 semaphore(%run_scoped3A : memref<!tpu.dma_semaphore, #tpu.memory_space<semaphore_mem>>) src(%arg10 : memref<128x32xf32, #tpu.memory_space<vmem>>) dst(%dma_wait3A_69 : memref<128x32xf32, #tpu.memory_space<hbm>>)
      tpu.yield
    }) : () -> ()
    %mul3A_43 = arith.constant 640 : i32
    %mul3A_44 = arith.muli %arg1, %mul3A_43 : i32
    %add3A_45 = arith.constant 256 : i32
    %add3A_46 = arith.addi %mul3A_44, %add3A_45 : i32
    "tpu.region"() ({
      %run_scoped3A = tpu.sem_alloc : memref<!tpu.dma_semaphore, #tpu.memory_space<semaphore_mem>>
      %dma_start3A = arith.constant 0 : i32
      %dma_start3A_64 = tpu.memref_slice %arg7[%add3A_46, %dma_start3A] : memref<10240x32xf32, #tpu.memory_space<vmem_shared>> -> memref<128x32xf32, #tpu.memory_space<vmem_shared>>
      %dma_start3A_65 = arith.constant 0 : i32
      %dma_start3A_66 = tpu.memref_slice %arg7[%add3A_46, %dma_start3A_65] : memref<10240x32xf32, #tpu.memory_space<vmem_shared>> -> memref<128x32xf32, #tpu.memory_space<vmem_shared>>
      tpu.enqueue_dma source(%dma_start3A_66 : memref<128x32xf32, #tpu.memory_space<vmem_shared>>) target(%arg10 : memref<128x32xf32, #tpu.memory_space<vmem>>) target_semaphore(%run_scoped3A : memref<!tpu.dma_semaphore, #tpu.memory_space<semaphore_mem>>)
      %dma_wait3A = arith.constant 0 : i32
      %dma_wait3A_67 = tpu.memref_slice %arg7[%add3A_46, %dma_wait3A] : memref<10240x32xf32, #tpu.memory_space<vmem_shared>> -> memref<128x32xf32, #tpu.memory_space<vmem_shared>>
      %dma_wait3A_68 = arith.constant 0 : i32
      %dma_wait3A_69 = tpu.memref_slice %arg7[%add3A_46, %dma_wait3A_68] : memref<10240x32xf32, #tpu.memory_space<vmem_shared>> -> memref<128x32xf32, #tpu.memory_space<vmem_shared>>
      tpu.wait_dma2 semaphore(%run_scoped3A : memref<!tpu.dma_semaphore, #tpu.memory_space<semaphore_mem>>) src(%dma_wait3A_69 : memref<128x32xf32, #tpu.memory_space<vmem_shared>>) dst(%arg10 : memref<128x32xf32, #tpu.memory_space<vmem>>)
      tpu.yield
    }) : () -> ()
    %mul3A_47 = arith.constant 10240 : i32
    %mul3A_48 = arith.muli %arg0, %mul3A_47 : i32
    %add3A_49 = arith.addi %mul3A_48, %add3A_46 : i32
    "tpu.region"() ({
      %run_scoped3A = tpu.sem_alloc : memref<!tpu.dma_semaphore, #tpu.memory_space<semaphore_mem>>
      %dma_start3A = arith.constant 0 : i32
      %dma_start3A_64 = tpu.memref_slice %arg6[%add3A_49, %dma_start3A] : memref<20480x32xf32, #tpu.memory_space<hbm>> -> memref<128x32xf32, #tpu.memory_space<hbm>>
      %dma_start3A_65 = arith.constant 0 : i32
      %dma_start3A_66 = tpu.memref_slice %arg6[%add3A_49, %dma_start3A_65] : memref<20480x32xf32, #tpu.memory_space<hbm>> -> memref<128x32xf32, #tpu.memory_space<hbm>>
      tpu.enqueue_dma source(%arg10 : memref<128x32xf32, #tpu.memory_space<vmem>>) target(%dma_start3A_66 : memref<128x32xf32, #tpu.memory_space<hbm>>) target_semaphore(%run_scoped3A : memref<!tpu.dma_semaphore, #tpu.memory_space<semaphore_mem>>)
      %dma_wait3A = arith.constant 0 : i32
      %dma_wait3A_67 = tpu.memref_slice %arg6[%add3A_49, %dma_wait3A] : memref<20480x32xf32, #tpu.memory_space<hbm>> -> memref<128x32xf32, #tpu.memory_space<hbm>>
      %dma_wait3A_68 = arith.constant 0 : i32
      %dma_wait3A_69 = tpu.memref_slice %arg6[%add3A_49, %dma_wait3A_68] : memref<20480x32xf32, #tpu.memory_space<hbm>> -> memref<128x32xf32, #tpu.memory_space<hbm>>
      tpu.wait_dma2 semaphore(%run_scoped3A : memref<!tpu.dma_semaphore, #tpu.memory_space<semaphore_mem>>) src(%arg10 : memref<128x32xf32, #tpu.memory_space<vmem>>) dst(%dma_wait3A_69 : memref<128x32xf32, #tpu.memory_space<hbm>>)
      tpu.yield
    }) : () -> ()
    %mul3A_50 = arith.constant 640 : i32
    %mul3A_51 = arith.muli %arg1, %mul3A_50 : i32
    %add3A_52 = arith.constant 384 : i32
    %add3A_53 = arith.addi %mul3A_51, %add3A_52 : i32
    "tpu.region"() ({
      %run_scoped3A = tpu.sem_alloc : memref<!tpu.dma_semaphore, #tpu.memory_space<semaphore_mem>>
      %dma_start3A = arith.constant 0 : i32
      %dma_start3A_64 = tpu.memref_slice %arg7[%add3A_53, %dma_start3A] : memref<10240x32xf32, #tpu.memory_space<vmem_shared>> -> memref<128x32xf32, #tpu.memory_space<vmem_shared>>
      %dma_start3A_65 = arith.constant 0 : i32
      %dma_start3A_66 = tpu.memref_slice %arg7[%add3A_53, %dma_start3A_65] : memref<10240x32xf32, #tpu.memory_space<vmem_shared>> -> memref<128x32xf32, #tpu.memory_space<vmem_shared>>
      tpu.enqueue_dma source(%dma_start3A_66 : memref<128x32xf32, #tpu.memory_space<vmem_shared>>) target(%arg10 : memref<128x32xf32, #tpu.memory_space<vmem>>) target_semaphore(%run_scoped3A : memref<!tpu.dma_semaphore, #tpu.memory_space<semaphore_mem>>)
      %dma_wait3A = arith.constant 0 : i32
      %dma_wait3A_67 = tpu.memref_slice %arg7[%add3A_53, %dma_wait3A] : memref<10240x32xf32, #tpu.memory_space<vmem_shared>> -> memref<128x32xf32, #tpu.memory_space<vmem_shared>>
      %dma_wait3A_68 = arith.constant 0 : i32
      %dma_wait3A_69 = tpu.memref_slice %arg7[%add3A_53, %dma_wait3A_68] : memref<10240x32xf32, #tpu.memory_space<vmem_shared>> -> memref<128x32xf32, #tpu.memory_space<vmem_shared>>
      tpu.wait_dma2 semaphore(%run_scoped3A : memref<!tpu.dma_semaphore, #tpu.memory_space<semaphore_mem>>) src(%dma_wait3A_69 : memref<128x32xf32, #tpu.memory_space<vmem_shared>>) dst(%arg10 : memref<128x32xf32, #tpu.memory_space<vmem>>)
      tpu.yield
    }) : () -> ()
    %mul3A_54 = arith.constant 10240 : i32
    %mul3A_55 = arith.muli %arg0, %mul3A_54 : i32
    %add3A_56 = arith.addi %mul3A_55, %add3A_53 : i32
    "tpu.region"() ({
      %run_scoped3A = tpu.sem_alloc : memref<!tpu.dma_semaphore, #tpu.memory_space<semaphore_mem>>
      %dma_start3A = arith.constant 0 : i32
      %dma_start3A_64 = tpu.memref_slice %arg6[%add3A_56, %dma_start3A] : memref<20480x32xf32, #tpu.memory_space<hbm>> -> memref<128x32xf32, #tpu.memory_space<hbm>>
      %dma_start3A_65 = arith.constant 0 : i32
      %dma_start3A_66 = tpu.memref_slice %arg6[%add3A_56, %dma_start3A_65] : memref<20480x32xf32, #tpu.memory_space<hbm>> -> memref<128x32xf32, #tpu.memory_space<hbm>>
      tpu.enqueue_dma source(%arg10 : memref<128x32xf32, #tpu.memory_space<vmem>>) target(%dma_start3A_66 : memref<128x32xf32, #tpu.memory_space<hbm>>) target_semaphore(%run_scoped3A : memref<!tpu.dma_semaphore, #tpu.memory_space<semaphore_mem>>)
      %dma_wait3A = arith.constant 0 : i32
      %dma_wait3A_67 = tpu.memref_slice %arg6[%add3A_56, %dma_wait3A] : memref<20480x32xf32, #tpu.memory_space<hbm>> -> memref<128x32xf32, #tpu.memory_space<hbm>>
      %dma_wait3A_68 = arith.constant 0 : i32
      %dma_wait3A_69 = tpu.memref_slice %arg6[%add3A_56, %dma_wait3A_68] : memref<20480x32xf32, #tpu.memory_space<hbm>> -> memref<128x32xf32, #tpu.memory_space<hbm>>
      tpu.wait_dma2 semaphore(%run_scoped3A : memref<!tpu.dma_semaphore, #tpu.memory_space<semaphore_mem>>) src(%arg10 : memref<128x32xf32, #tpu.memory_space<vmem>>) dst(%dma_wait3A_69 : memref<128x32xf32, #tpu.memory_space<hbm>>)
      tpu.yield
    }) : () -> ()
    %mul3A_57 = arith.constant 640 : i32
    %mul3A_58 = arith.muli %arg1, %mul3A_57 : i32
    %add3A_59 = arith.constant 512 : i32
    %add3A_60 = arith.addi %mul3A_58, %add3A_59 : i32
    "tpu.region"() ({
      %run_scoped3A = tpu.sem_alloc : memref<!tpu.dma_semaphore, #tpu.memory_space<semaphore_mem>>
      %dma_start3A = arith.constant 0 : i32
      %dma_start3A_64 = tpu.memref_slice %arg7[%add3A_60, %dma_start3A] : memref<10240x32xf32, #tpu.memory_space<vmem_shared>> -> memref<128x32xf32, #tpu.memory_space<vmem_shared>>
      %dma_start3A_65 = arith.constant 0 : i32
      %dma_start3A_66 = tpu.memref_slice %arg7[%add3A_60, %dma_start3A_65] : memref<10240x32xf32, #tpu.memory_space<vmem_shared>> -> memref<128x32xf32, #tpu.memory_space<vmem_shared>>
      tpu.enqueue_dma source(%dma_start3A_66 : memref<128x32xf32, #tpu.memory_space<vmem_shared>>) target(%arg10 : memref<128x32xf32, #tpu.memory_space<vmem>>) target_semaphore(%run_scoped3A : memref<!tpu.dma_semaphore, #tpu.memory_space<semaphore_mem>>)
      %dma_wait3A = arith.constant 0 : i32
      %dma_wait3A_67 = tpu.memref_slice %arg7[%add3A_60, %dma_wait3A] : memref<10240x32xf32, #tpu.memory_space<vmem_shared>> -> memref<128x32xf32, #tpu.memory_space<vmem_shared>>
      %dma_wait3A_68 = arith.constant 0 : i32
      %dma_wait3A_69 = tpu.memref_slice %arg7[%add3A_60, %dma_wait3A_68] : memref<10240x32xf32, #tpu.memory_space<vmem_shared>> -> memref<128x32xf32, #tpu.memory_space<vmem_shared>>
      tpu.wait_dma2 semaphore(%run_scoped3A : memref<!tpu.dma_semaphore, #tpu.memory_space<semaphore_mem>>) src(%dma_wait3A_69 : memref<128x32xf32, #tpu.memory_space<vmem_shared>>) dst(%arg10 : memref<128x32xf32, #tpu.memory_space<vmem>>)
      tpu.yield
    }) : () -> ()
    %mul3A_61 = arith.constant 10240 : i32
    %mul3A_62 = arith.muli %arg0, %mul3A_61 : i32
    %add3A_63 = arith.addi %mul3A_62, %add3A_60 : i32
    "tpu.region"() ({
      %run_scoped3A = tpu.sem_alloc : memref<!tpu.dma_semaphore, #tpu.memory_space<semaphore_mem>>
      %dma_start3A = arith.constant 0 : i32
      %dma_start3A_64 = tpu.memref_slice %arg6[%add3A_63, %dma_start3A] : memref<20480x32xf32, #tpu.memory_space<hbm>> -> memref<128x32xf32, #tpu.memory_space<hbm>>
      %dma_start3A_65 = arith.constant 0 : i32
      %dma_start3A_66 = tpu.memref_slice %arg6[%add3A_63, %dma_start3A_65] : memref<20480x32xf32, #tpu.memory_space<hbm>> -> memref<128x32xf32, #tpu.memory_space<hbm>>
      tpu.enqueue_dma source(%arg10 : memref<128x32xf32, #tpu.memory_space<vmem>>) target(%dma_start3A_66 : memref<128x32xf32, #tpu.memory_space<hbm>>) target_semaphore(%run_scoped3A : memref<!tpu.dma_semaphore, #tpu.memory_space<semaphore_mem>>)
      %dma_wait3A = arith.constant 0 : i32
      %dma_wait3A_67 = tpu.memref_slice %arg6[%add3A_63, %dma_wait3A] : memref<20480x32xf32, #tpu.memory_space<hbm>> -> memref<128x32xf32, #tpu.memory_space<hbm>>
      %dma_wait3A_68 = arith.constant 0 : i32
      %dma_wait3A_69 = tpu.memref_slice %arg6[%add3A_63, %dma_wait3A_68] : memref<20480x32xf32, #tpu.memory_space<hbm>> -> memref<128x32xf32, #tpu.memory_space<hbm>>
      tpu.wait_dma2 semaphore(%run_scoped3A : memref<!tpu.dma_semaphore, #tpu.memory_space<semaphore_mem>>) src(%arg10 : memref<128x32xf32, #tpu.memory_space<vmem>>) dst(%dma_wait3A_69 : memref<128x32xf32, #tpu.memory_space<hbm>>)
      tpu.yield
    }) : () -> ()
    return
  }
}

module attributes {stable_mosaic.version = 14 : i64} {
  func.func @_tc_a_body(%arg0: memref<10000x128xf32, #tpu.memory_space<vmem>>, %arg1: memref<128x128xf32, #tpu.memory_space<vmem>>, %arg2: memref<10000x64xf32, #tpu.memory_space<vmem>>, %arg3: memref<10000x64xf32, #tpu.memory_space<vmem>>) attributes {dimension_semantics = [], scalar_prefetch = 0 : i64, scratch_operands = 0 : i64, tpu.core_type = #tpu.core_type<tc>} {
    %get3A = arith.constant 0 : index
    %get3A_0 = arith.constant 0 : index
    %get3A_1 = vector.load %arg0[%get3A, %get3A_0] : memref<10000x128xf32, #tpu.memory_space<vmem>>, vector<10000x128xf32>
    %get3A_2 = arith.constant 0 : index
    %get3A_3 = arith.constant 0 : index
    %get3A_4 = vector.load %arg1[%get3A_2, %get3A_3] : memref<128x128xf32, #tpu.memory_space<vmem>>, vector<128x128xf32>
    %transpose3A = tpu.transpose %get3A_4, [1, 0] : vector<128x128xf32> -> vector<128x128xf32>
    %dot_general3A = arith.constant dense<0.000000e+00> : vector<10000x128xf32>
    %dot_general3A_5 = tpu.matmul %get3A_1, %transpose3A, %dot_general3A {dimension_numbers = #tpu.dot_dimension_numbers<[1], [0], [0], [1], [0, 0, 1, 1], [], []>, transpose_lhs_hint = false} : vector<10000x128xf32>, vector<128x128xf32>, vector<10000x128xf32> -> vector<10000x128xf32>
    %slice3A = vector.extract_strided_slice %dot_general3A_5 {offsets = [0, 0], sizes = [10000, 64], strides = [1, 1]} : vector<10000x128xf32> to vector<10000x64xf32>
    %swap3A = arith.constant 0 : index
    %swap3A_6 = arith.constant 0 : index
    %swap3A_7 = vector.load %arg2[%swap3A, %swap3A_6] : memref<10000x64xf32, #tpu.memory_space<vmem>>, vector<10000x64xf32>
    tpu.vector_store %arg2[%swap3A, %swap3A_6], %slice3A {strides = array<i32>} : memref<10000x64xf32, #tpu.memory_space<vmem>>, vector<10000x64xf32>,
    %slice3A_8 = vector.extract_strided_slice %dot_general3A_5 {offsets = [0, 64], sizes = [10000, 64], strides = [1, 1]} : vector<10000x128xf32> to vector<10000x64xf32>
    %swap3A_9 = arith.constant 0 : index
    %swap3A_10 = arith.constant 0 : index
    %swap3A_11 = vector.load %arg3[%swap3A_9, %swap3A_10] : memref<10000x64xf32, #tpu.memory_space<vmem>>, vector<10000x64xf32>
    tpu.vector_store %arg3[%swap3A_9, %swap3A_10], %slice3A_8 {strides = array<i32>} : memref<10000x64xf32, #tpu.memory_space<vmem>>, vector<10000x64xf32>,
    return
  }
}

module attributes {stable_mosaic.version = 14 : i64} {
  func.func @_tc_b_body(%arg0: memref<20480x64xf32, #tpu.memory_space<vmem>>, %arg1: memref<20480x16xf32, #tpu.memory_space<vmem>>, %arg2: memref<10000x64xf32, #tpu.memory_space<vmem>>, %arg3: memref<1x64xf32, #tpu.memory_space<vmem>>, %arg4: memref<1x64xf32, #tpu.memory_space<vmem>>, %arg5: memref<1x64xf32, #tpu.memory_space<vmem>>, %arg6: memref<64x64xf32, #tpu.memory_space<vmem>>, %arg7: memref<10000x32xf32, #tpu.memory_space<vmem>>, %arg8: memref<10000x32xf32, #tpu.memory_space<vmem>>) attributes {dimension_semantics = [], scalar_prefetch = 0 : i64, scratch_operands = 0 : i64, tpu.core_type = #tpu.core_type<tc>} {
    %get3A = arith.constant 0 : index
    %get3A_0 = arith.constant 0 : index
    %get3A_1 = vector.load %arg0[%get3A, %get3A_0] : memref<20480x64xf32, #tpu.memory_space<vmem>>, vector<10000x64xf32>
    %get3A_2 = arith.constant 10240 : index
    %get3A_3 = arith.constant 0 : index
    %get3A_4 = vector.load %arg0[%get3A_2, %get3A_3] : memref<20480x64xf32, #tpu.memory_space<vmem>>, vector<10000x64xf32>
    %add3A = arith.addf %get3A_1, %get3A_4 : vector<10000x64xf32>
    %get3A_5 = arith.constant 0 : index
    %get3A_6 = arith.constant 0 : index
    %get3A_7 = vector.load %arg1[%get3A_5, %get3A_6] : memref<20480x16xf32, #tpu.memory_space<vmem>>, vector<10000x16xf32>
    %get3A_8 = arith.constant 10240 : index
    %get3A_9 = arith.constant 0 : index
    %get3A_10 = vector.load %arg1[%get3A_8, %get3A_9] : memref<20480x16xf32, #tpu.memory_space<vmem>>, vector<10000x16xf32>
    %add3A_11 = arith.addf %get3A_7, %get3A_10 : vector<10000x16xf32>
    %slice3A = vector.extract_strided_slice %add3A_11 {offsets = [0, 0], sizes = [10000, 1], strides = [1, 1]} : vector<10000x16xf32> to vector<10000x1xf32>
    %max3A = arith.constant 1.000000e+00 : f32
    %max3A_12 = vector.broadcast %max3A : f32 to vector<10000x1xf32>
    %max3A_13 = arith.maximumf %slice3A, %max3A_12 : vector<10000x1xf32>
    %div3A = vector.broadcast %max3A_13 : vector<10000x1xf32> to vector<10000x64xf32>
    %div3A_14 = arith.divf %add3A, %div3A : vector<10000x64xf32>
    %get3A_15 = arith.constant 0 : index
    %get3A_16 = arith.constant 0 : index
    %get3A_17 = vector.load %arg3[%get3A_15, %get3A_16] : memref<1x64xf32, #tpu.memory_space<vmem>>, vector<1x64xf32>
    %add3A_18 = vector.broadcast %get3A_17 : vector<1x64xf32> to vector<10000x64xf32>
    %add3A_19 = arith.addf %div3A_14, %add3A_18 : vector<10000x64xf32>
    %get3A_20 = arith.constant 0 : index
    %get3A_21 = arith.constant 0 : index
    %get3A_22 = vector.load %arg2[%get3A_20, %get3A_21] : memref<10000x64xf32, #tpu.memory_space<vmem>>, vector<10000x64xf32>
    %add3A_23 = arith.addf %add3A_19, %get3A_22 : vector<10000x64xf32>
    %reduce_sum3A = arith.constant dense<0.000000e+00> : vector<64xf32>
    %reduce_sum3A_24 = vector.multi_reduction <add>, %add3A_23, %reduce_sum3A [0] : vector<10000x64xf32> to vector<64xf32>
    %broadcast_in_dim3A = vector.shape_cast %reduce_sum3A_24 : vector<64xf32> to vector<1x64xf32>
    %div3A_25 = arith.constant 1.000000e+04 : f32
    %div3A_26 = vector.broadcast %div3A_25 : f32 to vector<1x64xf32>
    %div3A_27 = arith.divf %broadcast_in_dim3A, %div3A_26 : vector<1x64xf32>
    %sub3A = vector.broadcast %div3A_27 : vector<1x64xf32> to vector<10000x64xf32>
    %sub3A_28 = arith.subf %add3A_23, %sub3A : vector<10000x64xf32>
    %sub3A_29 = vector.broadcast %div3A_27 : vector<1x64xf32> to vector<10000x64xf32>
    %sub3A_30 = arith.subf %add3A_23, %sub3A_29 : vector<10000x64xf32>
    %mul3A = arith.mulf %sub3A_28, %sub3A_30 : vector<10000x64xf32>
    %reduce_sum3A_31 = arith.constant dense<0.000000e+00> : vector<64xf32>
    %reduce_sum3A_32 = vector.multi_reduction <add>, %mul3A, %reduce_sum3A_31 [0] : vector<10000x64xf32> to vector<64xf32>
    %broadcast_in_dim3A_33 = vector.shape_cast %reduce_sum3A_32 : vector<64xf32> to vector<1x64xf32>
    %div3A_34 = arith.constant 1.000000e+04 : f32
    %div3A_35 = vector.broadcast %div3A_34 : f32 to vector<1x64xf32>
    %div3A_36 = arith.divf %broadcast_in_dim3A_33, %div3A_35 : vector<1x64xf32>
    %sub3A_37 = vector.broadcast %div3A_27 : vector<1x64xf32> to vector<10000x64xf32>
    %sub3A_38 = arith.subf %add3A_23, %sub3A_37 : vector<10000x64xf32>
    %add3A_39 = arith.constant 9.99999974E-6 : f32
    %add3A_40 = vector.broadcast %add3A_39 : f32 to vector<1x64xf32>
    %add3A_41 = arith.addf %div3A_36, %add3A_40 : vector<1x64xf32>
    %rsqrt3A = math.rsqrt %add3A_41 : vector<1x64xf32>
    %mul3A_42 = vector.broadcast %rsqrt3A : vector<1x64xf32> to vector<10000x64xf32>
    %mul3A_43 = arith.mulf %sub3A_38, %mul3A_42 : vector<10000x64xf32>
    %get3A_44 = arith.constant 0 : index
    %get3A_45 = arith.constant 0 : index
    %get3A_46 = vector.load %arg4[%get3A_44, %get3A_45] : memref<1x64xf32, #tpu.memory_space<vmem>>, vector<1x64xf32>
    %mul3A_47 = vector.broadcast %get3A_46 : vector<1x64xf32> to vector<10000x64xf32>
    %mul3A_48 = arith.mulf %mul3A_43, %mul3A_47 : vector<10000x64xf32>
    %get3A_49 = arith.constant 0 : index
    %get3A_50 = arith.constant 0 : index
    %get3A_51 = vector.load %arg5[%get3A_49, %get3A_50] : memref<1x64xf32, #tpu.memory_space<vmem>>, vector<1x64xf32>
    %add3A_52 = vector.broadcast %get3A_51 : vector<1x64xf32> to vector<10000x64xf32>
    %add3A_53 = arith.addf %mul3A_48, %add3A_52 : vector<10000x64xf32>
    %max3A_54 = arith.constant 0.000000e+00 : f32
    %max3A_55 = vector.broadcast %max3A_54 : f32 to vector<10000x64xf32>
    %max3A_56 = arith.maximumf %add3A_53, %max3A_55 : vector<10000x64xf32>
    %get3A_57 = arith.constant 0 : index
    %get3A_58 = arith.constant 0 : index
    %get3A_59 = vector.load %arg6[%get3A_57, %get3A_58] : memref<64x64xf32, #tpu.memory_space<vmem>>, vector<64x64xf32>
    %transpose3A = tpu.transpose %get3A_59, [1, 0] : vector<64x64xf32> -> vector<64x64xf32>
    %dot_general3A = arith.constant dense<0.000000e+00> : vector<10000x64xf32>
    %dot_general3A_60 = tpu.matmul %max3A_56, %transpose3A, %dot_general3A {dimension_numbers = #tpu.dot_dimension_numbers<[1], [0], [0], [1], [0, 0, 1, 1], [], []>, transpose_lhs_hint = false} : vector<10000x64xf32>, vector<64x64xf32>, vector<10000x64xf32> -> vector<10000x64xf32>
    %slice3A_61 = vector.extract_strided_slice %dot_general3A_60 {offsets = [0, 0], sizes = [10000, 32], strides = [1, 1]} : vector<10000x64xf32> to vector<10000x32xf32>
    %swap3A = arith.constant 0 : index
    %swap3A_62 = arith.constant 0 : index
    %swap3A_63 = vector.load %arg7[%swap3A, %swap3A_62] : memref<10000x32xf32, #tpu.memory_space<vmem>>, vector<10000x32xf32>
    tpu.vector_store %arg7[%swap3A, %swap3A_62], %slice3A_61 {strides = array<i32>} : memref<10000x32xf32, #tpu.memory_space<vmem>>, vector<10000x32xf32>,
    %slice3A_64 = vector.extract_strided_slice %dot_general3A_60 {offsets = [0, 32], sizes = [10000, 32], strides = [1, 1]} : vector<10000x64xf32> to vector<10000x32xf32>
    %swap3A_65 = arith.constant 0 : index
    %swap3A_66 = arith.constant 0 : index
    %swap3A_67 = vector.load %arg8[%swap3A_65, %swap3A_66] : memref<10000x32xf32, #tpu.memory_space<vmem>>, vector<10000x32xf32>
    tpu.vector_store %arg8[%swap3A_65, %swap3A_66], %slice3A_64 {strides = array<i32>} : memref<10000x32xf32, #tpu.memory_space<vmem>>, vector<10000x32xf32>,
    return
  }
}

module attributes {stable_mosaic.version = 14 : i64} {
  func.func @_tc_c_body(%arg0: memref<20480x32xf32, #tpu.memory_space<vmem>>, %arg1: memref<20480x16xf32, #tpu.memory_space<vmem>>, %arg2: memref<10000x32xf32, #tpu.memory_space<vmem>>, %arg3: memref<1x32xf32, #tpu.memory_space<vmem>>, %arg4: memref<1x32xf32, #tpu.memory_space<vmem>>, %arg5: memref<1x32xf32, #tpu.memory_space<vmem>>, %arg6: memref<16x32xf32, #tpu.memory_space<vmem>>, %arg7: memref<1x16xf32, #tpu.memory_space<vmem>>, %arg8: memref<1x16xf32, #tpu.memory_space<vmem>>, %arg9: memref<1x1xf32, #tpu.memory_space<vmem>>, %arg10: memref<10000x32xf32, #tpu.memory_space<vmem>>, %arg11: memref<10000x1xf32, #tpu.memory_space<vmem>>) attributes {dimension_semantics = [], scalar_prefetch = 0 : i64, scratch_operands = 0 : i64, tpu.core_type = #tpu.core_type<tc>} {
    %get3A = arith.constant 0 : index
    %get3A_0 = arith.constant 0 : index
    %get3A_1 = vector.load %arg0[%get3A, %get3A_0] : memref<20480x32xf32, #tpu.memory_space<vmem>>, vector<10000x32xf32>
    %get3A_2 = arith.constant 10240 : index
    %get3A_3 = arith.constant 0 : index
    %get3A_4 = vector.load %arg0[%get3A_2, %get3A_3] : memref<20480x32xf32, #tpu.memory_space<vmem>>, vector<10000x32xf32>
    %add3A = arith.addf %get3A_1, %get3A_4 : vector<10000x32xf32>
    %get3A_5 = arith.constant 0 : index
    %get3A_6 = arith.constant 0 : index
    %get3A_7 = vector.load %arg1[%get3A_5, %get3A_6] : memref<20480x16xf32, #tpu.memory_space<vmem>>, vector<10000x16xf32>
    %get3A_8 = arith.constant 10240 : index
    %get3A_9 = arith.constant 0 : index
    %get3A_10 = vector.load %arg1[%get3A_8, %get3A_9] : memref<20480x16xf32, #tpu.memory_space<vmem>>, vector<10000x16xf32>
    %add3A_11 = arith.addf %get3A_7, %get3A_10 : vector<10000x16xf32>
    %slice3A = vector.extract_strided_slice %add3A_11 {offsets = [0, 0], sizes = [10000, 1], strides = [1, 1]} : vector<10000x16xf32> to vector<10000x1xf32>
    %max3A = arith.constant 1.000000e+00 : f32
    %max3A_12 = vector.broadcast %max3A : f32 to vector<10000x1xf32>
    %max3A_13 = arith.maximumf %slice3A, %max3A_12 : vector<10000x1xf32>
    %div3A = vector.broadcast %max3A_13 : vector<10000x1xf32> to vector<10000x32xf32>
    %div3A_14 = arith.divf %add3A, %div3A : vector<10000x32xf32>
    %get3A_15 = arith.constant 0 : index
    %get3A_16 = arith.constant 0 : index
    %get3A_17 = vector.load %arg3[%get3A_15, %get3A_16] : memref<1x32xf32, #tpu.memory_space<vmem>>, vector<1x32xf32>
    %add3A_18 = vector.broadcast %get3A_17 : vector<1x32xf32> to vector<10000x32xf32>
    %add3A_19 = arith.addf %div3A_14, %add3A_18 : vector<10000x32xf32>
    %get3A_20 = arith.constant 0 : index
    %get3A_21 = arith.constant 0 : index
    %get3A_22 = vector.load %arg2[%get3A_20, %get3A_21] : memref<10000x32xf32, #tpu.memory_space<vmem>>, vector<10000x32xf32>
    %add3A_23 = arith.addf %add3A_19, %get3A_22 : vector<10000x32xf32>
    %reduce_sum3A = arith.constant dense<0.000000e+00> : vector<32xf32>
    %reduce_sum3A_24 = vector.multi_reduction <add>, %add3A_23, %reduce_sum3A [0] : vector<10000x32xf32> to vector<32xf32>
    %broadcast_in_dim3A = vector.shape_cast %reduce_sum3A_24 : vector<32xf32> to vector<1x32xf32>
    %div3A_25 = arith.constant 1.000000e+04 : f32
    %div3A_26 = vector.broadcast %div3A_25 : f32 to vector<1x32xf32>
    %div3A_27 = arith.divf %broadcast_in_dim3A, %div3A_26 : vector<1x32xf32>
    %sub3A = vector.broadcast %div3A_27 : vector<1x32xf32> to vector<10000x32xf32>
    %sub3A_28 = arith.subf %add3A_23, %sub3A : vector<10000x32xf32>
    %sub3A_29 = vector.broadcast %div3A_27 : vector<1x32xf32> to vector<10000x32xf32>
    %sub3A_30 = arith.subf %add3A_23, %sub3A_29 : vector<10000x32xf32>
    %mul3A = arith.mulf %sub3A_28, %sub3A_30 : vector<10000x32xf32>
    %reduce_sum3A_31 = arith.constant dense<0.000000e+00> : vector<32xf32>
    %reduce_sum3A_32 = vector.multi_reduction <add>, %mul3A, %reduce_sum3A_31 [0] : vector<10000x32xf32> to vector<32xf32>
    %broadcast_in_dim3A_33 = vector.shape_cast %reduce_sum3A_32 : vector<32xf32> to vector<1x32xf32>
    %div3A_34 = arith.constant 1.000000e+04 : f32
    %div3A_35 = vector.broadcast %div3A_34 : f32 to vector<1x32xf32>
    %div3A_36 = arith.divf %broadcast_in_dim3A_33, %div3A_35 : vector<1x32xf32>
    %sub3A_37 = vector.broadcast %div3A_27 : vector<1x32xf32> to vector<10000x32xf32>
    %sub3A_38 = arith.subf %add3A_23, %sub3A_37 : vector<10000x32xf32>
    %add3A_39 = arith.constant 9.99999974E-6 : f32
    %add3A_40 = vector.broadcast %add3A_39 : f32 to vector<1x32xf32>
    %add3A_41 = arith.addf %div3A_36, %add3A_40 : vector<1x32xf32>
    %rsqrt3A = math.rsqrt %add3A_41 : vector<1x32xf32>
    %mul3A_42 = vector.broadcast %rsqrt3A : vector<1x32xf32> to vector<10000x32xf32>
    %mul3A_43 = arith.mulf %sub3A_38, %mul3A_42 : vector<10000x32xf32>
    %get3A_44 = arith.constant 0 : index
    %get3A_45 = arith.constant 0 : index
    %get3A_46 = vector.load %arg4[%get3A_44, %get3A_45] : memref<1x32xf32, #tpu.memory_space<vmem>>, vector<1x32xf32>
    %mul3A_47 = vector.broadcast %get3A_46 : vector<1x32xf32> to vector<10000x32xf32>
    %mul3A_48 = arith.mulf %mul3A_43, %mul3A_47 : vector<10000x32xf32>
    %get3A_49 = arith.constant 0 : index
    %get3A_50 = arith.constant 0 : index
    %get3A_51 = vector.load %arg5[%get3A_49, %get3A_50] : memref<1x32xf32, #tpu.memory_space<vmem>>, vector<1x32xf32>
    %add3A_52 = vector.broadcast %get3A_51 : vector<1x32xf32> to vector<10000x32xf32>
    %add3A_53 = arith.addf %mul3A_48, %add3A_52 : vector<10000x32xf32>
    %max3A_54 = arith.constant 0.000000e+00 : f32
    %max3A_55 = vector.broadcast %max3A_54 : f32 to vector<10000x32xf32>
    %max3A_56 = arith.maximumf %add3A_53, %max3A_55 : vector<10000x32xf32>
    %swap3A = arith.constant 0 : index
    %swap3A_57 = arith.constant 0 : index
    %swap3A_58 = vector.load %arg10[%swap3A, %swap3A_57] : memref<10000x32xf32, #tpu.memory_space<vmem>>, vector<10000x32xf32>
    tpu.vector_store %arg10[%swap3A, %swap3A_57], %max3A_56 {strides = array<i32>} : memref<10000x32xf32, #tpu.memory_space<vmem>>, vector<10000x32xf32>,
    %get3A_59 = arith.constant 0 : index
    %get3A_60 = arith.constant 0 : index
    %get3A_61 = vector.load %arg6[%get3A_59, %get3A_60] : memref<16x32xf32, #tpu.memory_space<vmem>>, vector<16x32xf32>
    %transpose3A = tpu.transpose %get3A_61, [1, 0] : vector<16x32xf32> -> vector<32x16xf32>
    %dot_general3A = arith.constant dense<0.000000e+00> : vector<10000x16xf32>
    %dot_general3A_62 = tpu.matmul %max3A_56, %transpose3A, %dot_general3A {dimension_numbers = #tpu.dot_dimension_numbers<[1], [0], [0], [1], [0, 0, 1, 1], [], []>, transpose_lhs_hint = false} : vector<10000x32xf32>, vector<32x16xf32>, vector<10000x16xf32> -> vector<10000x16xf32>
    %get3A_63 = arith.constant 0 : index
    %get3A_64 = arith.constant 0 : index
    %get3A_65 = vector.load %arg7[%get3A_63, %get3A_64] : memref<1x16xf32, #tpu.memory_space<vmem>>, vector<1x16xf32>
    %add3A_66 = vector.broadcast %get3A_65 : vector<1x16xf32> to vector<10000x16xf32>
    %add3A_67 = arith.addf %dot_general3A_62, %add3A_66 : vector<10000x16xf32>
    %max3A_68 = arith.constant 0.000000e+00 : f32
    %max3A_69 = vector.broadcast %max3A_68 : f32 to vector<10000x16xf32>
    %max3A_70 = arith.maximumf %add3A_67, %max3A_69 : vector<10000x16xf32>
    %get3A_71 = arith.constant 0 : index
    %get3A_72 = arith.constant 0 : index
    %get3A_73 = vector.load %arg8[%get3A_71, %get3A_72] : memref<1x16xf32, #tpu.memory_space<vmem>>, vector<1x16xf32>
    %mul3A_74 = vector.broadcast %get3A_73 : vector<1x16xf32> to vector<10000x16xf32>
    %mul3A_75 = arith.mulf %max3A_70, %mul3A_74 : vector<10000x16xf32>
    %reduce_sum3A_76 = arith.constant dense<0.000000e+00> : vector<10000xf32>
    %reduce_sum3A_77 = vector.multi_reduction <add>, %mul3A_75, %reduce_sum3A_76 [1] : vector<10000x16xf32> to vector<10000xf32>
    %broadcast_in_dim3A_78 = vector.shape_cast %reduce_sum3A_77 : vector<10000xf32> to vector<10000x1xf32>
    %get3A_79 = arith.constant 0 : index
    %get3A_80 = arith.constant 0 : index
    %get3A_81 = vector.load %arg9[%get3A_79, %get3A_80] : memref<1x1xf32, #tpu.memory_space<vmem>>, vector<1x1xf32>
    %add3A_82 = vector.broadcast %get3A_81 : vector<1x1xf32> to vector<10000x1xf32>
    %add3A_83 = arith.addf %broadcast_in_dim3A_78, %add3A_82 : vector<10000x1xf32>
    %logistic3A = arith.negf %add3A_83 : vector<10000x1xf32>
    %logistic3A_84 = math.exp %logistic3A : vector<10000x1xf32>
    %logistic3A_85 = arith.constant 1.000000e+00 : f32
    %logistic3A_86 = vector.broadcast %logistic3A_85 : f32 to vector<10000x1xf32>
    %logistic3A_87 = arith.addf %logistic3A_86, %logistic3A_84 : vector<10000x1xf32>
    %logistic3A_88 = arith.divf %logistic3A_86, %logistic3A_87 : vector<10000x1xf32>
    %swap3A_89 = arith.constant 0 : index
    %swap3A_90 = arith.constant 0 : index
    %swap3A_91 = vector.load %arg11[%swap3A_89, %swap3A_90] : memref<10000x1xf32, #tpu.memory_space<vmem>>, vector<10000x1xf32>
    tpu.vector_store %arg11[%swap3A_89, %swap3A_90], %logistic3A_88 {strides = array<i32>} : memref<10000x1xf32, #tpu.memory_space<vmem>>, vector<10000x1xf32>,
    return
  }
}

</mosaic_0001>

<sc_bundles>
// kernel: _run.10.cloned.1.call-start
scs
__scs_entry_jumppad:
0x0: {  	(pc) =	sbr.rel $0x88, $3  }
0x1: {  	(tag) =	ssettag $0x0;
	lr =	simm.s32 $0x1  }
0x2: {  	[smem:$0x3F91] =	sst lr;
	_ =	strace $0xD0000000  }
0x3: {  	_ = 	snop  }
0x4: {  	_ = 	snop  }
0x5: {  	_ = 	snop  }
0x6: {  	_ = 	snop  }
0x7: {  	_ = 	snop  }
__scs_overlays_trampoline_lowered:
0x8: {  	[smem:$0x3FA0] =	sst s0  }
0x9: {  	[smem:$0x3FA1] =	sst s1  }
0xa: {  	[smem:$0x3FA2] =	sst s2  }
0xb: {  	[smem:$0x3FA3] =	sst s3  }
0xc: {  	[smem:$0x3FA4] =	sst s4  }
0xd: {  	[smem:$0x3FA5] =	sst s5  }
0xe: {  	[smem:$0x3FA6] =	sst s6  }
0xf: {  	[smem:$0x3FA7] =	sst s7  }
0x10: {  	[smem:$0x3FA8] =	sst s8  }
0x11: {  	[smem:$0x3FA9] =	sst s9;
	s0 =	simm.s32 @!p0 $0x0  }
0x12: {  	s1 =	sld [smem:$0x3F8F];
	s0 =	simm.s32 @p0 $0x1  }
0x13: {  	[smem:$0x3FAA] =	sst s0;
	s0 =	simm.s32 @!p1 $0x0  }
0x14: {  	s2 =	sld [smem:$0x3F8E];
	s0 =	simm.s32 @p1 $0x1  }
0x15: {  	[smem:$0x3FAB] =	sst s0;
	s0 =	simm.s32 @!p2 $0x0  }
0x16: {  	s3 =	sld [smem:$0x3FDB];
	s0 =	simm.s32 @p2 $0x1  }
0x17: {  	s4 =	simm.s32 $0x1BF5;
	[smem:$0x3FAD] =	sst s0  }
0x18: {  	s0 =	sld [smem:$0x3F90];
	_ =	swait.ge [sflag:s4], $0x0  }
0x19: {  	s7 =	sld [smem:$0x3F91]  }
0x1a: {  	s8 =	sadd.s32 $0xFFFFE003, lr  }
0x1b: {  	s9 =	sadd.s32 $0xFFFFFEF7, lr;
	s5 =	simm.s32 $0xFFFFFFFF;
	p2 =	slt.u32 s8, $0xFFFFF086  }
0x1c: {  	p1 =	slt.u32 s9, $0xF7A;
	s5 =	simm.s32 @!p2 $0x0  }
0x1d: {  	s5 =	simm.s32 @p1 $0x1;
	p0 =	seq.s32 s7, s2  }
0x1e: {  	s7 =	smul.u32 @!p0 $0xF7A, s2;
	p2 =	seq.s32 @!p0 s5, $0x0  }
0x1f: {  	s9 =	smul.u32 $0xF7A, s1;
	s8 =	simm.s32 @!p0 $0x1BF5;
	p2 =	por !p2, p0  }
0x20: {  	[sflag:s8] =	ssyncset.s32 @!p0 $0xFFFFF086;
	s6 =	sadd.s32 @!p0 s3, s7;
	s7 =	simm.s32 @!p0 $0x108  }
0x21: {  	s3 =	sadd.s32 s3, s9;
	s6 =	sadd.s32 @!p0 $0x88, s6;
	s7 =	simm.s32 @p2 $0x1082  }
0x22: {  	[simem:s7], [sflag:s8] =	dma.local @!p0 [hbm:s6], $0xF7A  }
0x23: {  	s9 =	sor.u32 $0xD0000000, s2;
	s6 =	simm.s32 $0x108;
	_ =	swait.ge @!p0 [sflag:s8], $0x0  }
0x24: {  	s3 =	sadd.s32 $0x88, s3;
	s6 =	simm.s32 @!p1 $0x1082;
	[sflag:s4] =	ssyncset.s32 $0xFFFFF086  }
0x25: {  	[simem:s6], [sflag:s4] =	dma.local [hbm:s3], $0xF7A  }
0x26: {  	[smem:$0x3F91] =	sst s1;
	(tag) =	ssettag s2;
	_ =	strace s9  }
0x27: {  	s1 =	sld [smem:$0x3FA1]  }
0x28: {  	s2 =	sld [smem:$0x3FA2]  }
0x29: {  	s4 =	sld [smem:$0x3FA4]  }
0x2a: {  	p0 =	seq.s32 s5, $0x0;
	s5 =	sld [smem:$0x3FA5]  }
0x2b: {  	s6 =	sld [smem:$0x3FA6]  }
0x2c: {  	s7 =	sld [smem:$0x3FA7]  }
0x2d: {  	s3 =	simm.s32 $0x108;
	s8 =	sld [smem:$0x3FA8]  }
0x2e: {  	s3 =	simm.s32 @!p0 $0x1082;
	s9 =	sld [smem:$0x3FA9]  }
0x2f: {  	lr =	sadd.s32 s0, s3;
	s0 =	sld [smem:$0x3FA0]  }
0x30: {  	s3 =	sld [smem:$0x3FA3]  }
0x31: {  	[smem:$0x3FAC] =	sst s10  }
0x32: {  	s10 =	sld [smem:$0x3FAA];
	_ =	sdelay $0x3  }
0x33: {  	p0 =	seq.s32 s10, $0x1;
	s10 =	sld [smem:$0x3FAC];
	_ =	sdelay $0x3  }
0x34: {  	[smem:$0x3FAC] =	sst s10  }
0x35: {  	s10 =	sld [smem:$0x3FAB];
	_ =	sdelay $0x3  }
0x36: {  	p1 =	seq.s32 s10, $0x1;
	s10 =	sld [smem:$0x3FAC];
	_ =	sdelay $0x3  }
0x37: {  	[smem:$0x3FAC] =	sst s10  }
0x38: {  	s10 =	sld [smem:$0x3FAD]  }
0x39: {  	_ = 	snop;
	(pc) =	sbr.ind lr, $3  }
0x3a: {  	_ = 	snop  }
0x3b: {  	_ = 	snop  }
0x3c: {  	p2 =	seq.s32 s10, $0x1;
	s10 =	sld [smem:$0x3FAC]  }
0x3d: {  	_ =	shalt  }
0x3e: {  	_ =	shalt  }
0x3f: {  	_ =	shalt  }
0x40: {  	_ =	shalt  }
0x41: {  	_ =	shalt  }
0x42: {  	_ =	shalt  }
0x43: {  	_ =	shalt  }
0x44: {  	_ =	shalt  }
0x45: {  	_ =	shalt  }
0x46: {  	_ =	shalt  }
0x47: {  	_ =	shalt  }
0x48: {  	_ =	shalt  }
0x49: {  	_ =	shalt  }
0x4a: {  	_ =	shalt  }
0x4b: {  	_ =	shalt  }
0x4c: {  	_ =	shalt  }
0x4d: {  	_ =	shalt  }
0x4e: {  	_ =	shalt  }
0x4f: {  	_ =	shalt  }
0x50: {  	_ =	shalt  }
0x51: {  	_ =	shalt  }
0x52: {  	_ =	shalt  }
0x53: {  	_ =	shalt  }
0x54: {  	_ =	shalt  }
0x55: {  	_ =	shalt  }
0x56: {  	_ =	shalt  }
0x57: {  	_ =	shalt  }
0x58: {  	_ =	shalt  }
0x59: {  	_ =	shalt  }
0x5a: {  	_ =	shalt  }
0x5b: {  	_ =	shalt  }
0x5c: {  	_ =	shalt  }
0x5d: {  	_ =	shalt  }
0x5e: {  	_ =	shalt  }
0x5f: {  	_ =	shalt  }
0x60: {  	_ =	shalt  }
0x61: {  	_ =	shalt  }
0x62: {  	_ =	shalt  }
0x63: {  	_ =	shalt  }
0x64: {  	_ =	shalt  }
0x65: {  	_ =	shalt  }
0x66: {  	_ =	shalt  }
0x67: {  	_ =	shalt  }
0x68: {  	_ =	shalt  }
0x69: {  	_ =	shalt  }
0x6a: {  	_ =	shalt  }
0x6b: {  	_ =	shalt  }
0x6c: {  	_ =	shalt  }
0x6d: {  	_ =	shalt  }
0x6e: {  	_ =	shalt  }
0x6f: {  	_ =	shalt  }
0x70: {  	_ =	shalt  }
0x71: {  	_ =	shalt  }
0x72: {  	_ =	shalt  }
0x73: {  	_ =	shalt  }
0x74: {  	_ =	shalt  }
0x75: {  	_ =	shalt  }
0x76: {  	_ =	shalt  }
0x77: {  	_ =	shalt  }
0x78: {  	_ =	shalt  }
0x79: {  	_ =	shalt  }
0x7a: {  	_ =	shalt  }
0x7b: {  	_ =	shalt  }
0x7c: {  	_ =	shalt  }
0x7d: {  	_ =	shalt  }
0x7e: {  	_ =	shalt  }
0x7f: {  	_ =	shalt  }
0x80: {  	_ =	shalt  }
0x81: {  	_ =	shalt  }
0x82: {  	_ =	shalt  }
0x83: {  	_ =	shalt  }
0x84: {  	_ =	shalt  }
0x85: {  	_ =	shalt  }
0x86: {  	_ =	shalt  }
0x87: {  	_ =	shalt  }
.Lfunc_end0:
.L_simem_size_0:
called_computation.1_lowered:
.L_overlay_start_0:
0x88: {  	s2 =	sld [smem:$0x3FD9]  }
0x89: {  	s3 =	sld [smem:$0x3FFE];
	_ =	sdelay $0x1  }
0x8a: {  	s1 =	srdreg.scid  }
0x8b: {  	s0 =	sand.u32 $0x1, s1  }
0x8c: {  	s14 =	sshll.u32 s0, $0xA;
	s2 =	sadd.s32 s3, s2  }
0x8d: {  	s2 =	sadd.s32 s2, s14  }
0x8e: {  	[smem:$0x3FB8] =	sst s2  }
0x8f: {  	_ = 	snop  }
0x90: {  	s2 =	sld [smem:$0x3FD0];
	_ =	sdelay $0x2  }
0x91: {  	s15 =	simm.s32 $0xA;
	s4 =	simm.s32 $0x10  }
0x92: {  	[smem:s4], [sflag:s15] =	dma.local [hbm:s2], $0x1  }
0x93: {  	_ =	swait.eq [sflag:s15], $0x1  }
0x94: {  	[sflag:s15] =	ssyncset.done $0x0  }
0x95: {  	s16 =	sld [smem:$0x10];
	[sflag:s15] =	ssyncadd.s32 $0xFFFFFFFF  }
0x96: {  	s17 =	sld [smem:$0x11];
	(tm) =	ssettm $0x1  }
0x97: {  	s18 =	sld [smem:$0x3FFB];
	_ =	sdelay $0x3  }
0x98: {  	_ =	strace s18  }
0x99: {  	s4 =	sld [smem:$0x3FFC];
	_ =	sdelay $0x3  }
0x9a: {  	_ =	strace s4  }
0x9b: {  	s4 =	sld [smem:$0x3FFD];
	_ =	sdelay $0x3  }
0x9c: {  	_ =	strace s4  }
0x9d: {  	_ =	strace $0x8FFFFFFF  }
0x9e: {  	s19 =	sld [smem:$0x3FDB];
	_ =	sdelay $0x1  }
0x9f: {  	s5 =	simm.s32 $_scs_section_size  }
0xa0: {  	s6 =	simm.s32 $_size__tile_overlayer_lowered;
	s7 =	simm.s32 $_tile_overlayer_lowered  }
0xa1: {  	s22 =	simm.s32 $0x1BFF;
	s21 =	sshll.u32 s7, $0x1;
	s4 =	sadd.s32 s5, s19  }
0xa2: {  	s8 =	simm.s32 $0x0;
	s20 =	sshll.u32 s6, $0x1;
	s6 =	sadd.s32 s21, s4  }
0xa3: {  	[timem:s8], [sflag:s22] =	dma.local [hbm:s6], s20  }
0xa4: {  	_ =	swait.ge [sflag:s22], s20  }
0xa5: {  	s5 =	ssub.s32 $0x0, s20;
	[sflag:s22] =	ssyncset.done $0x0  }
0xa6: {  	[sflag:s22] =	ssyncadd.s32 s5;
	_ =	sdelay $0x1  }
0xa7: {  	s23 =	simm.s32 $0x1B8B  }
0xa8: {  	_ =	swait.ge [sflag:s23], $0x1  }
0xa9: {  	[sflag:s23] =	ssyncset.done $0x0  }
0xaa: {  	s25 =	simm.s32 $0x1B8E;
	s24 =	sld [smem:$0x3FFE];
	[sflag:s23] =	ssyncadd.s32 $0xFFFFFFFF  }
0xab: {  	s26 =	simm.s32 $execute0_lowered;
	[smem:$0x3FD2] =	sst s25  }
0xac: {  	s6 =	sshll.u32 s26, $0x1;
	_ =	strace $0x80000049;
	[dreg:$0x1] =	wrdreg $0xFFFFFFFF  }
0xad: {  	s28 =	simm.s32 $_size_execute0_lowered;
	s4 =	sadd.s32 s4, s6;
	[dreg:$0x0] =	wrdreg $0x0  }
0xae: {  	s6 =	sshll.u32 s28, $0x1;
	[dreg:$0x2] =	wrdreg s4  }
0xaf: {  	[dreg:$0x3] =	wrdreg s6  }
0xb0: {  	[dreg:$0x4] =	wrdreg $0xC0  }
0xb1: {  	_ =	task [dreg:s8], $0x5FFFF  }
0xb2: {  	[dreg:$0x1] =	wrdreg $0xFFFFFFFF  }
0xb3: {  	[dreg:$0x0] =	wrdreg $0x60  }
0xb4: {  	[dreg:$0x2] =	wrdreg s16  }
0xb5: {  	[dreg:$0x3] =	wrdreg s24  }
0xb6: {  	[dreg:$0x4] =	wrdreg s17  }
0xb7: {  	[dreg:$0x5] =	wrdreg $0x0  }
0xb8: {  	[dreg:$0x6] =	wrdreg $0x9  }
0xb9: {  	_ =	task.clear_ibuf [dreg:s8], $0x7FFFF;
	_ =	strace $0x90000049  }
0xba: {  	s29 =	simm.s32 $0x9;
	_ =	strace $0x8000004B  }
0xbb: {  	_ =	swait.ge [sflag:s29], $0x1  }
0xbc: {  	[sflag:s29] =	ssyncadd.s32 $0xFFFFFFFF  }
0xbd: {  	_ =	strace $0x9000004B  }
0xbe: {  	_ =	sfence  }
0xbf: {  	s30 =	sld [smem:$0x0];
	_ =	sdelay $0x2  }
0xc0: {  	s31 =	sshll.u32 s1, $0xD;
	s1 =	sshrl.u32 s1, $0x2  }
0xc1: {  	s3 =	sand.u32 $0x4000, s31;
	s1 =	sadd.s32 s1, s30  }
0xc2: {  	s0 =	sor.u32 s3, s0;
	s1 =	sshll.u32 s1, $0x11  }
0xc3: {  	s0 =	sor.u32 s1, s0  }
0xc4: {  	s0 =	sadd.s32 $0x8F2B, s0  }
0xc5: {  	[sflag:s0] =	ssyncadd.remote.s32 $0x1  }
0xc6: {  	_ =	sfence.sel $0xFFFF  }
0xc7: {  	[dreg:$0x0] =	wrdreg $0xFFFFFFFF;
	(pc) =	sbr.abs _section_cstart, $3  }
0xc8: {  	[dreg:$0x1] =	wrdreg $0xFFFFFFFF  }
0xc9: {  	_ =	task.clear_ibuf [dreg:s8], $0x2FFFF;
	_ =	strace $0x9FFFFFFF  }
0xca: {  	(tm) =	ssettm $0x7FFFFFFF  }
0xcb: {  	_ =	shalt  }
tec
execute0_lowered:
.L_overlay_start_1:
0x0: {  	(tag) =	ssettag $0x1  }
0x1: {  	s1 =	rddreg [dreg:$0x0]  }
0x2: {  	s6 =	rddreg [dreg:$0x1]  }
0x3: {  	s3 =	rddreg [dreg:$0x2];
	s2 =	srdreg.scid  }
0x4: {  	s0 =	stileid.u32;
	s4 =	rddreg [dreg:$0x3];
	s5 =	simm.s32 $0x0  }
0x5: {  	s22 =	simm.s32 $0x7800;
	s23 =	simm.s32 $0x80;
	s8 =	sand.u32 $0x1, s2  }
0x6: {  	s7 =	sshll.u32 s0, $0x1;
	s2 =	rddreg [dreg:$0x4];
	s11 =	smul.u32 $0x280, s0  }
0x7: {  	[smem:$0x7FF] =	sst s5;
	s10 =	smul.u32 $0x14000, s0;
	s17 =	sadd.s32 $0x29800, s6  }
0x8: {  	s7 =	sor.u32 s8, s7;
	s9 =	ssub.s32 $0x2, s8;
	s20 =	smul.u32 $0x2800, s8  }
0x9: {  	_ =	strace $0x8000004A;
	s7 =	smul.u32 $0x500, s7;
	s24 =	sshrl.u32 s9, $0x1  }
0xa: {  	s13 =	sadd.s32 $0x80, s11;
	s25 =	sshrl.u32 s10, $0x2;
	s15 =	sadd.s32 $0x100, s11  }
0xb: {  	s16 =	sadd.s32 $0x180, s11;
	s19 =	sadd.s32 $0x200, s11;
	s18 =	ssub.s32 s9, s24  }
0xc: {  	s26 =	sshll.u32 s13, $0x5;
	s28 =	sshll.u32 s15, $0x5;
	s29 =	sshll.u32 s16, $0x5  }
0xd: {  	s30 =	sshll.u32 s19, $0x5;
	s14 =	sadd.s32 s11, s20;
	s21 =	sadd.s32 s20, s13  }
0xe: {  	s15 =	sadd.s32 s20, s15;
	s16 =	sadd.s32 s20, s16;
	s19 =	sadd.s32 s20, s19  }
0xf: {  	s20 =	simm.s32 $0x2;
	s24 =	simm.s32 $0x1;
	s12 =	sadd.s32 s7, s6  }
0x10: {  	s6 =	sadd.s32 s25, s4;
	s7 =	sadd.s32 s26, s4;
	s8 =	sadd.s32 s28, s4  }
0x11: {  	s9 =	sadd.s32 s29, s4;
	s10 =	sadd.s32 s30, s4;
	s14 =	sshll.u32 s14, $0x2  }
0x12: {  	s31 =	sshll.u32 s21, $0x2;
	s15 =	sshll.u32 s15, $0x2;
	s16 =	sshll.u32 s16, $0x2  }
0x13: {  	s19 =	sshll.u32 s19, $0x2;
	s18 =	smax.u32 s18, $0x1;
	s21 =	simm.s32 $0x5000  }
0x14: {  	s25 =	simm.s32 $0x0;
	s11 =	sadd.s32 $0x1F800, s12;
	s12 =	sadd.s32 $0x15800, s12  }
0x15: {  	s13 =	sadd.s32 s17, s14;
	s14 =	sadd.s32 s17, s31;
	s15 =	sadd.s32 s17, s15  }
0x16: {  	s16 =	sadd.s32 s17, s16;
	s17 =	sadd.s32 s17, s19;
	s19 =	simm.s32 $0xA000  }
.LBB2_1:
0x17: {  	[tilespmem:s19], [sflag:$0x2] =	stream.linear.gather [hbm4b:s3+s5], $0x1000, $0x38;
	[tilespmem:$0xB000] =	vst v63  }
0x18: {  	_ =	swait.ge [sflag:s20], $0x1000  }
0x19: {  	[sflag:s20] =	ssyncset.done $0x0  }
0x1a: {  	[sflag:s20] =	ssyncadd.s32 $0xFFFFF000  }
0x1b: {  	[spmem:s6] =	stream.linear.scatter [tilespmem:s19], [sflag:$0x2], $0x1000, $0x38;
	[tilespmem:$0xB000] =	vst v63  }
0x1c: {  	_ =	swait.ge [sflag:s20], $0x1000  }
0x1d: {  	[sflag:s20] =	ssyncset.done $0x0  }
0x1e: {  	[sflag:s20] =	ssyncadd.s32 $0xFFFFF000  }
0x1f: {  	[spmem:s7] =	stream.linear.scatter [tilespmem:s19], [sflag:$0x2], $0x1000, $0x38;
	[tilespmem:$0xB000] =	vst v63  }
0x20: {  	_ =	swait.ge [sflag:s20], $0x1000  }
0x21: {  	[sflag:s20] =	ssyncset.done $0x0  }
0x22: {  	[sflag:s20] =	ssyncadd.s32 $0xFFFFF000  }
0x23: {  	[spmem:s8] =	stream.linear.scatter [tilespmem:s19], [sflag:$0x2], $0x1000, $0x38;
	[tilespmem:$0xB000] =	vst v63  }
0x24: {  	_ =	swait.ge [sflag:s20], $0x1000  }
0x25: {  	[sflag:s20] =	ssyncset.done $0x0  }
0x26: {  	[sflag:s20] =	ssyncadd.s32 $0xFFFFF000  }
0x27: {  	[spmem:s9] =	stream.linear.scatter [tilespmem:s19], [sflag:$0x2], $0x1000, $0x38;
	[tilespmem:$0xB000] =	vst v63  }
0x28: {  	_ =	swait.ge [sflag:s20], $0x1000  }
0x29: {  	[sflag:s20] =	ssyncset.done $0x0  }
0x2a: {  	[sflag:s20] =	ssyncadd.s32 $0xFFFFF000  }
0x2b: {  	[spmem:s10] =	stream.linear.scatter [tilespmem:s19], [sflag:$0x2], $0x1000, $0x38;
	[tilespmem:$0xB000] =	vst v63  }
0x2c: {  	_ =	swait.ge [sflag:s20], $0x1000  }
0x2d: {  	[sflag:s20] =	ssyncset.done $0x0  }
0x2e: {  	[sflag:s20] =	ssyncadd.s32 $0xFFFFF000  }
0x2f: {  	[tilespmem:s21], [sflag:$0x2] =	stream.linear.gather [hbm4b:s11+s5], $0x2800, $0x38;
	[tilespmem:$0xB000] =	vst v63  }
0x30: {  	_ =	swait.ge [sflag:s20], $0x2800  }
0x31: {  	[sflag:s20] =	ssyncset.done $0x0  }
0x32: {  	[sflag:s20] =	ssyncadd.s32 $0xFFFFD800  }
0x33: {  	[tilespmem:s22], [sflag:$0x2] =	stream.linear.gather [hbm4b:s12+s5], $0x2800, $0x38;
	[tilespmem:$0xB000] =	vst v63  }
0x34: {  	_ =	swait.ge [sflag:s20], $0x2800  }
0x35: {  	[sflag:s20] =	ssyncset.done $0x0  }
0x36: {  	[sflag:s20] =	ssyncadd.s32 $0xFFFFD800  }
0x37: {  	s26 =	simm.s32 $0x5000;
	[bflag:$0x0] =	sbarrier.arrive $0xFFFF  }
0x38: {  	[tilespmem:s19], [sflag:$0x1] =	stream.indirect.gather [hbm4b:s1+s23], $0x20, s26, s23, $0xb8;
	[tilespmem:$0xB000] =	vst v63  }
0x39: {  	_ =	swait.ge [sflag:s24], $0x1000  }
0x3a: {  	[sflag:s24] =	ssyncset.done $0x0  }
0x3b: {  	s31 =	simm.s32 $0x7800;
	[sflag:s24] =	ssyncadd.s32 $0xFFFFF000  }
0x3c: {  	[spmem:s4] =	stream.indirect.scatter.add.f32 [tilespmem:s19], [sflag:$0x2], $0x20, s31, s23, $0xb8;
	[tilespmem:$0xB000] =	vst v63  }
0x3d: {  	_ =	swait.ge [sflag:s20], $0x1000  }
0x3e: {  	s28 =	simm.s32 $0x400;
	s26 =	simm.s32 $0x80;
	[sflag:s20] =	ssyncset.done $0x0  }
.LBB2_2:
0x3f: {  	s29 =	sadd.s32 $0x5000, s26  }
0x40: {  	[sflag:s20] =	ssyncadd.s32 $0xFFFFF000;
	s30 =	smov.u32 s28;
	s31 =	sadd.s32 $0x200, s28  }
0x41: {  	[tilespmem:s19], [sflag:$0x1] =	stream.indirect.gather [hbm4b:s1+s23], $0x20, s29, s23, $0xb8;
	[tilespmem:$0xB000] =	vst v63  }
0x42: {  	p0 =	sne.s32 s28, $0x9E00;
	_ =	swait.ge [sflag:s24], $0x1000  }
.Ltmp0:
0x43: {  	[sflag:s24] =	ssyncset.done $0x0;
	(pc) =	sbr.rel @p0 .LBB2_2-.Ltmp0, $4  }
0x44: {  	s26 =	sadd.s32 $0x7800, s26;
	[sflag:s24] =	ssyncadd.s32 $0xFFFFF000  }
0x45: {  	[spmem:s4] =	stream.indirect.scatter.add.f32 [tilespmem:s19], [sflag:$0x2], $0x20, s26, s23, $0xb8;
	[tilespmem:$0xB000] =	vst v63  }
0x46: {  	_ =	swait.ge [sflag:s20], $0x1000  }
0x47: {  	s28 =	smov.u32 s31;
	s26 =	sshra.s32 s30, $0x2;
	[sflag:s20] =	ssyncset.done $0x0  }
0x48: {  	s28 =	sadd.s32 $0x5000, s26;
	[sflag:s20] =	ssyncadd.s32 $0xFFFFF000  }
0x49: {  	[tilespmem:s19], [sflag:$0x1] =	stream.indirect.gather [hbm4b:s1+s23], $0x20, s28, s23, $0xb8;
	[tilespmem:$0xB000] =	vst v63  }
0x4a: {  	_ =	swait.ge [sflag:s24], $0x1000  }
0x4b: {  	[sflag:s24] =	ssyncset.done $0x0  }
0x4c: {  	s31 =	sadd.s32 $0x7800, s26;
	[sflag:s24] =	ssyncadd.s32 $0xFFFFF000  }
0x4d: {  	[spmem:s4] =	stream.indirect.scatter.add.f32 [tilespmem:s19], [sflag:$0x2], $0x20, s31, s23, $0xb8;
	[tilespmem:$0xB000] =	vst v63  }
0x4e: {  	_ =	swait.ge [sflag:s20], $0x1000  }
0x4f: {  	[sflag:s20] =	ssyncset.done $0x0  }
0x50: {  	[sflag:s20] =	ssyncadd.s32 $0xFFFFF000  }
0x51: {  	[bflag:$0x0] =	sbarrier.arrive $0xFFFF  }
0x52: {  	[tilespmem:s19], [sflag:$0x2] =	stream.linear.gather [spmem:s6], $0x1000, $0x38;
	[tilespmem:$0xB000] =	vst v63  }
0x53: {  	_ =	swait.ge [sflag:s20], $0x1000  }
0x54: {  	[sflag:s20] =	ssyncset.done $0x0  }
0x55: {  	[sflag:s20] =	ssyncadd.s32 $0xFFFFF000  }
0x56: {  	[hbm4b:s13+s5] =	stream.linear.scatter [tilespmem:s19], [sflag:$0x2], $0x1000, $0x38;
	[tilespmem:$0xB000] =	vst v63  }
0x57: {  	_ =	swait.ge [sflag:s20], $0x1000  }
0x58: {  	[sflag:s20] =	ssyncset.done $0x0  }
0x59: {  	[sflag:s20] =	ssyncadd.s32 $0xFFFFF000  }
0x5a: {  	[tilespmem:s19], [sflag:$0x2] =	stream.linear.gather [spmem:s7], $0x1000, $0x38;
	[tilespmem:$0xB000] =	vst v63  }
0x5b: {  	_ =	swait.ge [sflag:s20], $0x1000  }
0x5c: {  	[sflag:s20] =	ssyncset.done $0x0  }
0x5d: {  	[sflag:s20] =	ssyncadd.s32 $0xFFFFF000  }
0x5e: {  	[hbm4b:s14+s5] =	stream.linear.scatter [tilespmem:s19], [sflag:$0x2], $0x1000, $0x38;
	[tilespmem:$0xB000] =	vst v63  }
0x5f: {  	_ =	swait.ge [sflag:s20], $0x1000  }
0x60: {  	[sflag:s20] =	ssyncset.done $0x0  }
0x61: {  	[sflag:s20] =	ssyncadd.s32 $0xFFFFF000  }
0x62: {  	[tilespmem:s19], [sflag:$0x2] =	stream.linear.gather [spmem:s8], $0x1000, $0x38;
	[tilespmem:$0xB000] =	vst v63  }
0x63: {  	_ =	swait.ge [sflag:s20], $0x1000  }
0x64: {  	[sflag:s20] =	ssyncset.done $0x0  }
0x65: {  	[sflag:s20] =	ssyncadd.s32 $0xFFFFF000  }
0x66: {  	[hbm4b:s15+s5] =	stream.linear.scatter [tilespmem:s19], [sflag:$0x2], $0x1000, $0x38;
	[tilespmem:$0xB000] =	vst v63  }
0x67: {  	_ =	swait.ge [sflag:s20], $0x1000  }
0x68: {  	[sflag:s20] =	ssyncset.done $0x0  }
0x69: {  	[sflag:s20] =	ssyncadd.s32 $0xFFFFF000  }
0x6a: {  	[tilespmem:s19], [sflag:$0x2] =	stream.linear.gather [spmem:s9], $0x1000, $0x38;
	[tilespmem:$0xB000] =	vst v63  }
0x6b: {  	_ =	swait.ge [sflag:s20], $0x1000  }
0x6c: {  	[sflag:s20] =	ssyncset.done $0x0  }
0x6d: {  	[sflag:s20] =	ssyncadd.s32 $0xFFFFF000  }
0x6e: {  	[hbm4b:s16+s5] =	stream.linear.scatter [tilespmem:s19], [sflag:$0x2], $0x1000, $0x38;
	[tilespmem:$0xB000] =	vst v63  }
0x6f: {  	_ =	swait.ge [sflag:s20], $0x1000  }
0x70: {  	[sflag:s20] =	ssyncset.done $0x0  }
0x71: {  	[sflag:s20] =	ssyncadd.s32 $0xFFFFF000  }
0x72: {  	[tilespmem:s19], [sflag:$0x2] =	stream.linear.gather [spmem:s10], $0x1000, $0x38;
	[tilespmem:$0xB000] =	vst v63  }
0x73: {  	s25 =	sadd.s32 $0x1, s25;
	_ =	swait.ge [sflag:s20], $0x1000  }
0x74: {  	p0 =	sne.s32 s25, s18;
	[sflag:s20] =	ssyncset.done $0x0  }
.Ltmp1:
0x75: {  	[sflag:s20] =	ssyncadd.s32 $0xFFFFF000;
	(pc) =	sbr.rel @p0 .LBB2_1-.Ltmp1, $4  }
0x76: {  	[hbm4b:s17+s5] =	stream.linear.scatter [tilespmem:s19], [sflag:$0x2], $0x1000, $0x38;
	[tilespmem:$0xB000] =	vst v63  }
0x77: {  	_ =	swait.ge [sflag:s20], $0x1000  }
0x78: {  	[sflag:s20] =	ssyncset.done $0x0  }
0x79: {  	[sflag:s20] =	ssyncadd.s32 $0xFFFFF000  }
0x7a: {  	_ =	sfence.sel $0x180000  }
0x7b: {  	[bflag:$0x0] =	sbarrier.arrive $0xFFFF  }
0x7c: {  	p0 =	sne.s32 s0, $0x0;
	_ =	strace $0x9000004A  }
0x7d: {  	s0 =	sadd.s32 @!p0 $0x100000, s2;
	[bflag:$0x2] =	sbarrier.arrive $0xFFFF  }
0x7e: {  	[sflag:s0] =	ssyncadd.tile.s32 @!p0 $0x1;
	_ =	shalt  }
.Lfunc_end2:
_tile_overlayer_lowered:
.L_overlay_start_2:
0x7f: {  	(tag) =	ssettag $0x2  }
0x80: {  	s0 =	rddreg [dreg:$0x0];
	s2 =	stileid.u32  }
0x81: {  	s1 =	rddreg [dreg:$0x1];
	p0 =	sne.s32 s2, $0x0  }
0x82: {  	s3 =	rddreg [dreg:$0x2];
	[bflag:$0x3] =	sbarrier.arrive $0xFFFF;
	s2 =	simm.s32 @!p0 $0x1C02  }
0x83: {  	[timem:s3], [sflag:s2] =	dma.local @!p0 [hbm:s0], s1  }
0x84: {  	s0 =	simm.s32 @!p0 $0x2  }
0x85: {  	_ =	swait.ge @!p0 [sflag:s0], s1  }
0x86: {  	s1 =	ssub.s32 @!p0 $0x0, s1;
	[sflag:s0] =	ssyncset.done @!p0 $0x0  }
0x87: {  	[sflag:s0] =	ssyncadd.s32 @!p0 s1  }
0x88: {  	[bflag:$0x3] =	sbarrier.arrive $0xFFFF  }
0x89: {  	_ =	shalt  }

// kernel: _run.7.cloned.1.call-start
scs
__scs_entry_jumppad:
0x0: {  	(pc) =	sbr.rel $0x88, $3  }
0x1: {  	(tag) =	ssettag $0x0;
	lr =	simm.s32 $0x1  }
0x2: {  	[smem:$0x3F91] =	sst lr;
	_ =	strace $0xD0000000  }
0x3: {  	_ = 	snop  }
0x4: {  	_ = 	snop  }
0x5: {  	_ = 	snop  }
0x6: {  	_ = 	snop  }
0x7: {  	_ = 	snop  }
__scs_overlays_trampoline_lowered:
0x8: {  	[smem:$0x3FA0] =	sst s0  }
0x9: {  	[smem:$0x3FA1] =	sst s1  }
0xa: {  	[smem:$0x3FA2] =	sst s2  }
0xb: {  	[smem:$0x3FA3] =	sst s3  }
0xc: {  	[smem:$0x3FA4] =	sst s4  }
0xd: {  	[smem:$0x3FA5] =	sst s5  }
0xe: {  	[smem:$0x3FA6] =	sst s6  }
0xf: {  	[smem:$0x3FA7] =	sst s7  }
0x10: {  	[smem:$0x3FA8] =	sst s8  }
0x11: {  	[smem:$0x3FA9] =	sst s9;
	s0 =	simm.s32 @!p0 $0x0  }
0x12: {  	s1 =	sld [smem:$0x3F8F];
	s0 =	simm.s32 @p0 $0x1  }
0x13: {  	[smem:$0x3FAA] =	sst s0;
	s0 =	simm.s32 @!p1 $0x0  }
0x14: {  	s2 =	sld [smem:$0x3F8E];
	s0 =	simm.s32 @p1 $0x1  }
0x15: {  	[smem:$0x3FAB] =	sst s0;
	s0 =	simm.s32 @!p2 $0x0  }
0x16: {  	s3 =	sld [smem:$0x3FDB];
	s0 =	simm.s32 @p2 $0x1  }
0x17: {  	s4 =	simm.s32 $0x1BF5;
	[smem:$0x3FAD] =	sst s0  }
0x18: {  	s0 =	sld [smem:$0x3F90];
	_ =	swait.ge [sflag:s4], $0x0  }
0x19: {  	s7 =	sld [smem:$0x3F91]  }
0x1a: {  	s8 =	sadd.s32 $0xFFFFE003, lr  }
0x1b: {  	s9 =	sadd.s32 $0xFFFFFEF7, lr;
	s5 =	simm.s32 $0xFFFFFFFF;
	p2 =	slt.u32 s8, $0xFFFFF086  }
0x1c: {  	p1 =	slt.u32 s9, $0xF7A;
	s5 =	simm.s32 @!p2 $0x0  }
0x1d: {  	s5 =	simm.s32 @p1 $0x1;
	p0 =	seq.s32 s7, s2  }
0x1e: {  	s7 =	smul.u32 @!p0 $0xF7A, s2;
	p2 =	seq.s32 @!p0 s5, $0x0  }
0x1f: {  	s9 =	smul.u32 $0xF7A, s1;
	s8 =	simm.s32 @!p0 $0x1BF5;
	p2 =	por !p2, p0  }
0x20: {  	[sflag:s8] =	ssyncset.s32 @!p0 $0xFFFFF086;
	s6 =	sadd.s32 @!p0 s3, s7;
	s7 =	simm.s32 @!p0 $0x108  }
0x21: {  	s3 =	sadd.s32 s3, s9;
	s6 =	sadd.s32 @!p0 $0x88, s6;
	s7 =	simm.s32 @p2 $0x1082  }
0x22: {  	[simem:s7], [sflag:s8] =	dma.local @!p0 [hbm:s6], $0xF7A  }
0x23: {  	s9 =	sor.u32 $0xD0000000, s2;
	s6 =	simm.s32 $0x108;
	_ =	swait.ge @!p0 [sflag:s8], $0x0  }
0x24: {  	s3 =	sadd.s32 $0x88, s3;
	s6 =	simm.s32 @!p1 $0x1082;
	[sflag:s4] =	ssyncset.s32 $0xFFFFF086  }
0x25: {  	[simem:s6], [sflag:s4] =	dma.local [hbm:s3], $0xF7A  }
0x26: {  	[smem:$0x3F91] =	sst s1;
	(tag) =	ssettag s2;
	_ =	strace s9  }
0x27: {  	s1 =	sld [smem:$0x3FA1]  }
0x28: {  	s2 =	sld [smem:$0x3FA2]  }
0x29: {  	s4 =	sld [smem:$0x3FA4]  }
0x2a: {  	p0 =	seq.s32 s5, $0x0;
	s5 =	sld [smem:$0x3FA5]  }
0x2b: {  	s6 =	sld [smem:$0x3FA6]  }
0x2c: {  	s7 =	sld [smem:$0x3FA7]  }
0x2d: {  	s3 =	simm.s32 $0x108;
	s8 =	sld [smem:$0x3FA8]  }
0x2e: {  	s3 =	simm.s32 @!p0 $0x1082;
	s9 =	sld [smem:$0x3FA9]  }
0x2f: {  	lr =	sadd.s32 s0, s3;
	s0 =	sld [smem:$0x3FA0]  }
0x30: {  	s3 =	sld [smem:$0x3FA3]  }
0x31: {  	[smem:$0x3FAC] =	sst s10  }
0x32: {  	s10 =	sld [smem:$0x3FAA];
	_ =	sdelay $0x3  }
0x33: {  	p0 =	seq.s32 s10, $0x1;
	s10 =	sld [smem:$0x3FAC];
	_ =	sdelay $0x3  }
0x34: {  	[smem:$0x3FAC] =	sst s10  }
0x35: {  	s10 =	sld [smem:$0x3FAB];
	_ =	sdelay $0x3  }
0x36: {  	p1 =	seq.s32 s10, $0x1;
	s10 =	sld [smem:$0x3FAC];
	_ =	sdelay $0x3  }
0x37: {  	[smem:$0x3FAC] =	sst s10  }
0x38: {  	s10 =	sld [smem:$0x3FAD]  }
0x39: {  	_ = 	snop;
	(pc) =	sbr.ind lr, $3  }
0x3a: {  	_ = 	snop  }
0x3b: {  	_ = 	snop  }
0x3c: {  	p2 =	seq.s32 s10, $0x1;
	s10 =	sld [smem:$0x3FAC]  }
0x3d: {  	_ =	shalt  }
0x3e: {  	_ =	shalt  }
0x3f: {  	_ =	shalt  }
0x40: {  	_ =	shalt  }
0x41: {  	_ =	shalt  }
0x42: {  	_ =	shalt  }
0x43: {  	_ =	shalt  }
0x44: {  	_ =	shalt  }
0x45: {  	_ =	shalt  }
0x46: {  	_ =	shalt  }
0x47: {  	_ =	shalt  }
0x48: {  	_ =	shalt  }
0x49: {  	_ =	shalt  }
0x4a: {  	_ =	shalt  }
0x4b: {  	_ =	shalt  }
0x4c: {  	_ =	shalt  }
0x4d: {  	_ =	shalt  }
0x4e: {  	_ =	shalt  }
0x4f: {  	_ =	shalt  }
0x50: {  	_ =	shalt  }
0x51: {  	_ =	shalt  }
0x52: {  	_ =	shalt  }
0x53: {  	_ =	shalt  }
0x54: {  	_ =	shalt  }
0x55: {  	_ =	shalt  }
0x56: {  	_ =	shalt  }
0x57: {  	_ =	shalt  }
0x58: {  	_ =	shalt  }
0x59: {  	_ =	shalt  }
0x5a: {  	_ =	shalt  }
0x5b: {  	_ =	shalt  }
0x5c: {  	_ =	shalt  }
0x5d: {  	_ =	shalt  }
0x5e: {  	_ =	shalt  }
0x5f: {  	_ =	shalt  }
0x60: {  	_ =	shalt  }
0x61: {  	_ =	shalt  }
0x62: {  	_ =	shalt  }
0x63: {  	_ =	shalt  }
0x64: {  	_ =	shalt  }
0x65: {  	_ =	shalt  }
0x66: {  	_ =	shalt  }
0x67: {  	_ =	shalt  }
0x68: {  	_ =	shalt  }
0x69: {  	_ =	shalt  }
0x6a: {  	_ =	shalt  }
0x6b: {  	_ =	shalt  }
0x6c: {  	_ =	shalt  }
0x6d: {  	_ =	shalt  }
0x6e: {  	_ =	shalt  }
0x6f: {  	_ =	shalt  }
0x70: {  	_ =	shalt  }
0x71: {  	_ =	shalt  }
0x72: {  	_ =	shalt  }
0x73: {  	_ =	shalt  }
0x74: {  	_ =	shalt  }
0x75: {  	_ =	shalt  }
0x76: {  	_ =	shalt  }
0x77: {  	_ =	shalt  }
0x78: {  	_ =	shalt  }
0x79: {  	_ =	shalt  }
0x7a: {  	_ =	shalt  }
0x7b: {  	_ =	shalt  }
0x7c: {  	_ =	shalt  }
0x7d: {  	_ =	shalt  }
0x7e: {  	_ =	shalt  }
0x7f: {  	_ =	shalt  }
0x80: {  	_ =	shalt  }
0x81: {  	_ =	shalt  }
0x82: {  	_ =	shalt  }
0x83: {  	_ =	shalt  }
0x84: {  	_ =	shalt  }
0x85: {  	_ =	shalt  }
0x86: {  	_ =	shalt  }
0x87: {  	_ =	shalt  }
.Lfunc_end0:
.L_simem_size_0:
called_computation_lowered:
.L_overlay_start_0:
0x88: {  	s2 =	sld [smem:$0x3FD9]  }
0x89: {  	s3 =	sld [smem:$0x3FFE];
	_ =	sdelay $0x1  }
0x8a: {  	s1 =	srdreg.scid  }
0x8b: {  	s0 =	sand.u32 $0x1, s1  }
0x8c: {  	s14 =	sshll.u32 s0, $0xA;
	s2 =	sadd.s32 s3, s2  }
0x8d: {  	s2 =	sadd.s32 s2, s14  }
0x8e: {  	[smem:$0x3FB8] =	sst s2  }
0x8f: {  	_ = 	snop  }
0x90: {  	s2 =	sld [smem:$0x3FD0];
	_ =	sdelay $0x2  }
0x91: {  	s15 =	simm.s32 $0xA;
	s4 =	simm.s32 $0x10  }
0x92: {  	[smem:s4], [sflag:s15] =	dma.local [hbm:s2], $0x1  }
0x93: {  	_ =	swait.eq [sflag:s15], $0x1  }
0x94: {  	[sflag:s15] =	ssyncset.done $0x0  }
0x95: {  	s16 =	sld [smem:$0x10];
	[sflag:s15] =	ssyncadd.s32 $0xFFFFFFFF  }
0x96: {  	s17 =	sld [smem:$0x11];
	(tm) =	ssettm $0x1  }
0x97: {  	s18 =	sld [smem:$0x3FFB];
	_ =	sdelay $0x3  }
0x98: {  	_ =	strace s18  }
0x99: {  	s4 =	sld [smem:$0x3FFC];
	_ =	sdelay $0x3  }
0x9a: {  	_ =	strace s4  }
0x9b: {  	s4 =	sld [smem:$0x3FFD];
	_ =	sdelay $0x3  }
0x9c: {  	_ =	strace s4  }
0x9d: {  	_ =	strace $0x8FFFFFFF  }
0x9e: {  	s19 =	sld [smem:$0x3FDB];
	_ =	sdelay $0x1  }
0x9f: {  	s5 =	simm.s32 $_scs_section_size  }
0xa0: {  	s6 =	simm.s32 $_size__tile_overlayer_lowered;
	s7 =	simm.s32 $_tile_overlayer_lowered  }
0xa1: {  	s22 =	simm.s32 $0x1BFF;
	s21 =	sshll.u32 s7, $0x1;
	s4 =	sadd.s32 s5, s19  }
0xa2: {  	s8 =	simm.s32 $0x0;
	s20 =	sshll.u32 s6, $0x1;
	s6 =	sadd.s32 s21, s4  }
0xa3: {  	[timem:s8], [sflag:s22] =	dma.local [hbm:s6], s20  }
0xa4: {  	_ =	swait.ge [sflag:s22], s20  }
0xa5: {  	s5 =	ssub.s32 $0x0, s20;
	[sflag:s22] =	ssyncset.done $0x0  }
0xa6: {  	[sflag:s22] =	ssyncadd.s32 s5;
	_ =	sdelay $0x1  }
0xa7: {  	s23 =	simm.s32 $0x1B8B  }
0xa8: {  	_ =	swait.ge [sflag:s23], $0x1  }
0xa9: {  	[sflag:s23] =	ssyncset.done $0x0  }
0xaa: {  	s25 =	simm.s32 $0x1B8E;
	s24 =	sld [smem:$0x3FFE];
	[sflag:s23] =	ssyncadd.s32 $0xFFFFFFFF  }
0xab: {  	s26 =	simm.s32 $execute0_lowered;
	[smem:$0x3FD2] =	sst s25  }
0xac: {  	s6 =	sshll.u32 s26, $0x1;
	_ =	strace $0x80000046;
	[dreg:$0x1] =	wrdreg $0xFFFFFFFF  }
0xad: {  	s28 =	simm.s32 $_size_execute0_lowered;
	s4 =	sadd.s32 s4, s6;
	[dreg:$0x0] =	wrdreg $0x0  }
0xae: {  	s6 =	sshll.u32 s28, $0x1;
	[dreg:$0x2] =	wrdreg s4  }
0xaf: {  	[dreg:$0x3] =	wrdreg s6  }
0xb0: {  	[dreg:$0x4] =	wrdreg $0xC0  }
0xb1: {  	_ =	task [dreg:s8], $0x5FFFF  }
0xb2: {  	[dreg:$0x1] =	wrdreg $0xFFFFFFFF  }
0xb3: {  	[dreg:$0x0] =	wrdreg $0x60  }
0xb4: {  	[dreg:$0x2] =	wrdreg s24  }
0xb5: {  	[dreg:$0x3] =	wrdreg s17  }
0xb6: {  	[dreg:$0x4] =	wrdreg s16  }
0xb7: {  	[dreg:$0x5] =	wrdreg $0x0  }
0xb8: {  	[dreg:$0x6] =	wrdreg $0xA0000  }
0xb9: {  	[dreg:$0x7] =	wrdreg $0x9  }
0xba: {  	_ =	task.clear_ibuf [dreg:s8], $0x8FFFF;
	_ =	strace $0x90000046  }
0xbb: {  	s29 =	simm.s32 $0x9;
	_ =	strace $0x80000048  }
0xbc: {  	_ =	swait.ge [sflag:s29], $0x1  }
0xbd: {  	[sflag:s29] =	ssyncadd.s32 $0xFFFFFFFF  }
0xbe: {  	_ =	strace $0x90000048  }
0xbf: {  	_ =	sfence  }
0xc0: {  	s30 =	sld [smem:$0x0];
	_ =	sdelay $0x2  }
0xc1: {  	s31 =	sshll.u32 s1, $0xD;
	s1 =	sshrl.u32 s1, $0x2  }
0xc2: {  	s3 =	sand.u32 $0x4000, s31;
	s1 =	sadd.s32 s1, s30  }
0xc3: {  	s0 =	sor.u32 s3, s0;
	s1 =	sshll.u32 s1, $0x11  }
0xc4: {  	s0 =	sor.u32 s1, s0  }
0xc5: {  	s0 =	sadd.s32 $0x8F2B, s0  }
0xc6: {  	[sflag:s0] =	ssyncadd.remote.s32 $0x1  }
0xc7: {  	_ =	sfence.sel $0xFFFF  }
0xc8: {  	[dreg:$0x0] =	wrdreg $0xFFFFFFFF;
	(pc) =	sbr.abs _section_cstart, $3  }
0xc9: {  	[dreg:$0x1] =	wrdreg $0xFFFFFFFF  }
0xca: {  	_ =	task.clear_ibuf [dreg:s8], $0x2FFFF;
	_ =	strace $0x9FFFFFFF  }
0xcb: {  	(tm) =	ssettm $0x7FFFFFFF  }
tec
execute0_lowered:
.L_overlay_start_1:
0x0: {  	(tag) =	ssettag $0x1  }
0x1: {  	s0 =	rddreg [dreg:$0x0]  }
0x2: {  	s4 =	rddreg [dreg:$0x3];
	s1 =	srdreg.scid  }
0x3: {  	s19 =	stileid.u32;
	s5 =	rddreg [dreg:$0x4];
	s6 =	simm.s32 $0x0  }
0x4: {  	s1 =	sand.u32 $0x1, s1;
	s2 =	sshll.u32 s19, $0x1;
	s7 =	smul.u32 $0x280, s19  }
0x5: {  	[smem:$0x7FF] =	sst s6;
	s8 =	sadd.s32 $0x33A00, s0;
	s25 =	smul.u32 $0x28000, s19  }
0x6: {  	s2 =	sor.u32 s1, s2;
	s3 =	ssub.s32 $0x2, s1;
	s1 =	smul.u32 $0x2800, s1  }
0x7: {  	s10 =	sadd.s32 $0x29A00, s0;
	_ =	strace $0x80000047;
	s2 =	smul.u32 $0x500, s2  }
0x8: {  	s9 =	sshrl.u32 s3, $0x1;
	s11 =	sadd.s32 $0x100, s7;
	s26 =	sadd.s32 $0x180, s7  }
0x9: {  	s3 =	ssub.s32 s3, s9;
	s9 =	sadd.s32 $0x80, s7;
	s12 =	sadd.s32 s7, s1  }
0xa: {  	s7 =	sadd.s32 $0x200, s7;
	s22 =	sadd.s32 s1, s11;
	s23 =	sadd.s32 s1, s26  }
0xb: {  	s2 =	sadd.s32 s2, s0;
	s13 =	sadd.s32 s1, s9;
	s14 =	sshll.u32 s12, $0x3  }
0xc: {  	s1 =	sadd.s32 s1, s7;
	s16 =	sshll.u32 s22, $0x3;
	s17 =	sshll.u32 s23, $0x3  }
0xd: {  	s12 =	sshll.u32 s12, $0x1;
	s3 =	smax.u32 s3, $0x1;
	s15 =	sshll.u32 s13, $0x3  }
0xe: {  	s14 =	sadd.s32 s8, s14;
	s18 =	sshll.u32 s1, $0x3;
	s16 =	sadd.s32 s8, s16  }
0xf: {  	s24 =	sadd.s32 s8, s17;
	s13 =	sshll.u32 s13, $0x1;
	s12 =	sadd.s32 s10, s12  }
0x10: {  	s1 =	sshll.u32 s1, $0x1;
	s17 =	sadd.s32 $0x1E00, s0;
	[dreg:$0x6] =	wrdreg s14  }
0x11: {  	s30 =	sadd.s32 $0x1F800, s2;
	s31 =	sadd.s32 $0x15800, s2;
	[dreg:$0x8] =	wrdreg s16  }
0x12: {  	s2 =	simm.s32 $0x13800;
	s21 =	sadd.s32 s8, s15;
	[dreg:$0x9] =	wrdreg s24  }
0x13: {  	s8 =	sadd.s32 s8, s18;
	[dreg:$0xb] =	wrdreg s12;
	s20 =	sadd.s32 s10, s13  }
0x14: {  	s14 =	sshll.u32 s22, $0x1;
	s15 =	sshll.u32 s23, $0x1;
	s16 =	sadd.s32 s10, s1  }
0x15: {  	s22 =	smul.u32 $0xA000, s19;
	s18 =	sadd.s32 $0x29800, s0;
	s23 =	sshrl.u32 s25, $0x2  }
0x16: {  	s25 =	sshll.u32 s9, $0x6;
	s12 =	sshll.u32 s26, $0x4;
	[dreg:$0x7] =	wrdreg s21  }
0x17: {  	s13 =	sshll.u32 s7, $0x6;
	s0 =	simm.s32 $0x11800;
	[dreg:$0xa] =	wrdreg s8  }
0x18: {  	s1 =	simm.s32 $0x2;
	[dreg:$0xc] =	wrdreg s20;
	s21 =	sadd.s32 s10, s14  }
0x19: {  	s15 =	sadd.s32 s10, s15;
	s19 =	sadd.s32 s23, s4;
	s8 =	sshll.u32 s9, $0x4  }
0x1a: {  	s9 =	sshll.u32 s11, $0x6;
	s10 =	sshll.u32 s11, $0x4;
	s11 =	sshll.u32 s26, $0x6  }
0x1b: {  	s26 =	sadd.s32 s12, s5;
	s28 =	sadd.s32 s13, s4;
	s14 =	sshll.u32 s7, $0x4  }
0x1c: {  	s7 =	simm.s32 $0x80;
	[dreg:$0xd] =	wrdreg s21;
	s24 =	sshrl.u32 s22, $0x2  }
0x1d: {  	s21 =	sadd.s32 s25, s4;
	s22 =	sadd.s32 s8, s5;
	s23 =	sadd.s32 s9, s4  }
0x1e: {  	s25 =	sadd.s32 s11, s4;
	s29 =	sadd.s32 s14, s5;
	s8 =	simm.s32 $0x1  }
0x1f: {  	s9 =	simm.s32 $0x0;
	s20 =	sadd.s32 s24, s5;
	s24 =	sadd.s32 s10, s5  }
.LBB2_1:
0x20: {  	s10 =	rddreg [dreg:$0x1]  }
0x21: {  	[tilespmem:s0], [sflag:$0x2] =	stream.linear.gather [hbm4b:s10+s6], $0x2000, $0x38;
	[tilespmem:$0x14000] =	vst v63  }
0x22: {  	_ =	swait.ge [sflag:s1], $0x2000  }
0x23: {  	[sflag:s1] =	ssyncset.done $0x0  }
0x24: {  	[sflag:s1] =	ssyncadd.s32 $0xFFFFE000  }
0x25: {  	s14 =	rddreg [dreg:$0x2]  }
0x26: {  	[tilespmem:s2], [sflag:$0x2] =	stream.linear.gather [hbm4b:s14+s6], $0x800, $0x38;
	[tilespmem:$0x14000] =	vst v63  }
0x27: {  	_ =	swait.ge [sflag:s1], $0x800  }
0x28: {  	[sflag:s1] =	ssyncset.done $0x0  }
0x29: {  	[sflag:s1] =	ssyncadd.s32 $0xFFFFF800  }
0x2a: {  	[spmem:s19] =	stream.linear.scatter [tilespmem:s0], [sflag:$0x2], $0x2000, $0x38;
	[tilespmem:$0x14000] =	vst v63  }
0x2b: {  	_ =	swait.ge [sflag:s1], $0x2000  }
0x2c: {  	[sflag:s1] =	ssyncset.done $0x0  }
0x2d: {  	[sflag:s1] =	ssyncadd.s32 $0xFFFFE000  }
0x2e: {  	[spmem:s20] =	stream.linear.scatter [tilespmem:s2], [sflag:$0x2], $0x800, $0x38;
	[tilespmem:$0x14000] =	vst v63  }
0x2f: {  	_ =	swait.ge [sflag:s1], $0x800  }
0x30: {  	[sflag:s1] =	ssyncset.done $0x0  }
0x31: {  	[sflag:s1] =	ssyncadd.s32 $0xFFFFF800  }
0x32: {  	[spmem:s21] =	stream.linear.scatter [tilespmem:s0], [sflag:$0x2], $0x2000, $0x38;
	[tilespmem:$0x14000] =	vst v63  }
0x33: {  	_ =	swait.ge [sflag:s1], $0x2000  }
0x34: {  	[sflag:s1] =	ssyncset.done $0x0  }
0x35: {  	[sflag:s1] =	ssyncadd.s32 $0xFFFFE000  }
0x36: {  	[spmem:s22] =	stream.linear.scatter [tilespmem:s2], [sflag:$0x2], $0x800, $0x38;
	[tilespmem:$0x14000] =	vst v63  }
0x37: {  	_ =	swait.ge [sflag:s1], $0x800  }
0x38: {  	[sflag:s1] =	ssyncset.done $0x0  }
0x39: {  	[sflag:s1] =	ssyncadd.s32 $0xFFFFF800  }
0x3a: {  	[spmem:s23] =	stream.linear.scatter [tilespmem:s0], [sflag:$0x2], $0x2000, $0x38;
	[tilespmem:$0x14000] =	vst v63  }
0x3b: {  	_ =	swait.ge [sflag:s1], $0x2000  }
0x3c: {  	[sflag:s1] =	ssyncset.done $0x0  }
0x3d: {  	[sflag:s1] =	ssyncadd.s32 $0xFFFFE000  }
0x3e: {  	[spmem:s24] =	stream.linear.scatter [tilespmem:s2], [sflag:$0x2], $0x800, $0x38;
	[tilespmem:$0x14000] =	vst v63  }
0x3f: {  	_ =	swait.ge [sflag:s1], $0x800  }
0x40: {  	[sflag:s1] =	ssyncset.done $0x0  }
0x41: {  	[sflag:s1] =	ssyncadd.s32 $0xFFFFF800  }
0x42: {  	[spmem:s25] =	stream.linear.scatter [tilespmem:s0], [sflag:$0x2], $0x2000, $0x38;
	[tilespmem:$0x14000] =	vst v63  }
0x43: {  	_ =	swait.ge [sflag:s1], $0x2000  }
0x44: {  	[sflag:s1] =	ssyncset.done $0x0  }
0x45: {  	[sflag:s1] =	ssyncadd.s32 $0xFFFFE000  }
0x46: {  	[spmem:s26] =	stream.linear.scatter [tilespmem:s2], [sflag:$0x2], $0x800, $0x38;
	[tilespmem:$0x14000] =	vst v63  }
0x47: {  	_ =	swait.ge [sflag:s1], $0x800  }
0x48: {  	[sflag:s1] =	ssyncset.done $0x0  }
0x49: {  	[sflag:s1] =	ssyncadd.s32 $0xFFFFF800  }
0x4a: {  	[spmem:s28] =	stream.linear.scatter [tilespmem:s0], [sflag:$0x2], $0x2000, $0x38;
	[tilespmem:$0x14000] =	vst v63  }
0x4b: {  	_ =	swait.ge [sflag:s1], $0x2000  }
0x4c: {  	[sflag:s1] =	ssyncset.done $0x0  }
0x4d: {  	[sflag:s1] =	ssyncadd.s32 $0xFFFFE000  }
0x4e: {  	[spmem:s29] =	stream.linear.scatter [tilespmem:s2], [sflag:$0x2], $0x800, $0x38;
	[tilespmem:$0x14000] =	vst v63  }
0x4f: {  	_ =	swait.ge [sflag:s1], $0x800  }
0x50: {  	[sflag:s1] =	ssyncset.done $0x0  }
0x51: {  	[sflag:s1] =	ssyncadd.s32 $0xFFFFF800  }
0x52: {  	[tilespmem:s2], [sflag:$0x2] =	stream.linear.gather [hbm4b:s18+s6], $0x800, $0x38;
	[tilespmem:$0x14000] =	vst v63  }
0x53: {  	_ =	swait.ge [sflag:s1], $0x800  }
0x54: {  	[sflag:s1] =	ssyncset.done $0x0  }
0x55: {  	s11 =	simm.s32 $0xC800;
	[sflag:s1] =	ssyncadd.s32 $0xFFFFF800  }
0x56: {  	[tilespmem:s11], [sflag:$0x2] =	stream.linear.gather [hbm4b:s30+s6], $0x2800, $0x38;
	[tilespmem:$0x14000] =	vst v63  }
0x57: {  	_ =	swait.ge [sflag:s1], $0x2800  }
0x58: {  	[sflag:s1] =	ssyncset.done $0x0  }
0x59: {  	s12 =	simm.s32 $0xF000;
	[sflag:s1] =	ssyncadd.s32 $0xFFFFD800  }
0x5a: {  	[tilespmem:s12], [sflag:$0x2] =	stream.linear.gather [hbm4b:s31+s6], $0x2800, $0x38;
	[tilespmem:$0x14000] =	vst v63  }
0x5b: {  	_ =	swait.ge [sflag:s1], $0x2800  }
0x5c: {  	[sflag:s1] =	ssyncset.done $0x0  }
0x5d: {  	[sflag:s1] =	ssyncadd.s32 $0xFFFFD800  }
0x5e: {  	s13 =	simm.s32 $0xC800;
	[bflag:$0x0] =	sbarrier.arrive $0xFFFF  }
0x5f: {  	[tilespmem:s0], [sflag:$0x1] =	stream.indirect.gather [hbm4b:s17+s7], $0x40, s13, s7, $0xb8;
	[tilespmem:$0x14000] =	vst v63  }
0x60: {  	_ =	swait.ge [sflag:s8], $0x2000  }
0x61: {  	[sflag:s8] =	ssyncset.done $0x0  }
0x62: {  	s14 =	simm.s32 $0xF000;
	[sflag:s8] =	ssyncadd.s32 $0xFFFFE000  }
0x63: {  	[spmem:s4] =	stream.indirect.scatter.add.f32 [tilespmem:s0], [sflag:$0x2], $0x40, s14, s7, $0xb8;
	[tilespmem:$0x14000] =	vst v63  }
0x64: {  	_ =	swait.ge [sflag:s1], $0x2000  }
0x65: {  	[sflag:s1] =	ssyncset.done $0x0  }
0x66: {  	[sflag:s1] =	ssyncadd.s32 $0xFFFFE000  }
0x67: {  	[spmem:s5] =	stream.indirect.scatter.add.f32 [tilespmem:s2], [sflag:$0x2], $0x10, s14, s7, $0xb8;
	[tilespmem:$0x14000] =	vst v63  }
0x68: {  	_ =	swait.ge [sflag:s1], $0x800  }
0x69: {  	s10 =	simm.s32 $0x80;
	s11 =	simm.s32 $0x400;
	[sflag:s1] =	ssyncset.done $0x0  }
.LBB2_2:
0x6a: {  	s12 =	sadd.s32 $0xC800, s10  }
0x6b: {  	[sflag:s1] =	ssyncadd.s32 $0xFFFFF800;
	s13 =	smov.u32 s11;
	s14 =	sadd.s32 $0x200, s11  }
0x6c: {  	[tilespmem:s0], [sflag:$0x1] =	stream.indirect.gather [hbm4b:s17+s7], $0x40, s12, s7, $0xb8;
	[tilespmem:$0x14000] =	vst v63  }
0x6d: {  	p0 =	sne.s32 s11, $0x9E00;
	_ =	swait.ge [sflag:s8], $0x2000  }
0x6e: {  	[sflag:s8] =	ssyncset.done $0x0  }
0x6f: {  	s10 =	sadd.s32 $0xF000, s10;
	[sflag:s8] =	ssyncadd.s32 $0xFFFFE000  }
0x70: {  	[spmem:s4] =	stream.indirect.scatter.add.f32 [tilespmem:s0], [sflag:$0x2], $0x40, s10, s7, $0xb8;
	[tilespmem:$0x14000] =	vst v63  }
0x71: {  	_ =	swait.ge [sflag:s1], $0x2000  }
.Ltmp0:
0x72: {  	[sflag:s1] =	ssyncset.done $0x0;
	(pc) =	sbr.rel @p0 .LBB2_2-.Ltmp0, $4  }
0x73: {  	[sflag:s1] =	ssyncadd.s32 $0xFFFFE000  }
0x74: {  	[spmem:s5] =	stream.indirect.scatter.add.f32 [tilespmem:s2], [sflag:$0x2], $0x10, s10, s7, $0xb8;
	[tilespmem:$0x14000] =	vst v63  }
0x75: {  	_ =	swait.ge [sflag:s1], $0x800  }
0x76: {  	s11 =	smov.u32 s14;
	s10 =	sshra.s32 s13, $0x2;
	[sflag:s1] =	ssyncset.done $0x0  }
0x77: {  	s11 =	sadd.s32 $0xC800, s10;
	[sflag:s1] =	ssyncadd.s32 $0xFFFFF800  }
0x78: {  	[tilespmem:s0], [sflag:$0x1] =	stream.indirect.gather [hbm4b:s17+s7], $0x40, s11, s7, $0xb8;
	[tilespmem:$0x14000] =	vst v63  }
0x79: {  	_ =	swait.ge [sflag:s8], $0x2000  }
0x7a: {  	[sflag:s8] =	ssyncset.done $0x0  }
0x7b: {  	s14 =	sadd.s32 $0xF000, s10;
	[sflag:s8] =	ssyncadd.s32 $0xFFFFE000  }
0x7c: {  	[spmem:s4] =	stream.indirect.scatter.add.f32 [tilespmem:s0], [sflag:$0x2], $0x40, s14, s7, $0xb8;
	[tilespmem:$0x14000] =	vst v63  }
0x7d: {  	_ =	swait.ge [sflag:s1], $0x2000  }
0x7e: {  	[sflag:s1] =	ssyncset.done $0x0  }
0x7f: {  	[sflag:s1] =	ssyncadd.s32 $0xFFFFE000  }
0x80: {  	[spmem:s5] =	stream.indirect.scatter.add.f32 [tilespmem:s2], [sflag:$0x2], $0x10, s14, s7, $0xb8;
	[tilespmem:$0x14000] =	vst v63  }
0x81: {  	_ =	swait.ge [sflag:s1], $0x800  }
0x82: {  	[sflag:s1] =	ssyncset.done $0x0  }
0x83: {  	[sflag:s1] =	ssyncadd.s32 $0xFFFFF800  }
0x84: {  	[bflag:$0x0] =	sbarrier.arrive $0xFFFF  }
0x85: {  	[tilespmem:s0], [sflag:$0x2] =	stream.linear.gather [spmem:s19], $0x2000, $0x38;
	[tilespmem:$0x14000] =	vst v63  }
0x86: {  	_ =	swait.ge [sflag:s1], $0x2000  }
0x87: {  	[sflag:s1] =	ssyncset.done $0x0  }
0x88: {  	s11 =	rddreg [dreg:$0x6];
	[sflag:s1] =	ssyncadd.s32 $0xFFFFE000  }
0x89: {  	[hbm4b:s11+s6] =	stream.linear.scatter [tilespmem:s0], [sflag:$0x2], $0x2000, $0x38;
	[tilespmem:$0x14000] =	vst v63  }
0x8a: {  	_ =	swait.ge [sflag:s1], $0x2000  }
0x8b: {  	[sflag:s1] =	ssyncset.done $0x0  }
0x8c: {  	[sflag:s1] =	ssyncadd.s32 $0xFFFFE000  }
0x8d: {  	[tilespmem:s2], [sflag:$0x2] =	stream.linear.gather [spmem:s20], $0x800, $0x38;
	[tilespmem:$0x14000] =	vst v63  }
0x8e: {  	_ =	swait.ge [sflag:s1], $0x800  }
0x8f: {  	[sflag:s1] =	ssyncset.done $0x0  }
0x90: {  	s12 =	rddreg [dreg:$0xb];
	[sflag:s1] =	ssyncadd.s32 $0xFFFFF800  }
0x91: {  	[hbm4b:s12+s6] =	stream.linear.scatter [tilespmem:s2], [sflag:$0x2], $0x800, $0x38;
	[tilespmem:$0x14000] =	vst v63  }
0x92: {  	_ =	swait.ge [sflag:s1], $0x800  }
0x93: {  	[sflag:s1] =	ssyncset.done $0x0  }
0x94: {  	[sflag:s1] =	ssyncadd.s32 $0xFFFFF800  }
0x95: {  	[tilespmem:s0], [sflag:$0x2] =	stream.linear.gather [spmem:s21], $0x2000, $0x38;
	[tilespmem:$0x14000] =	vst v63  }
0x96: {  	_ =	swait.ge [sflag:s1], $0x2000  }
0x97: {  	[sflag:s1] =	ssyncset.done $0x0  }
0x98: {  	s13 =	rddreg [dreg:$0x7];
	[sflag:s1] =	ssyncadd.s32 $0xFFFFE000  }
0x99: {  	[hbm4b:s13+s6] =	stream.linear.scatter [tilespmem:s0], [sflag:$0x2], $0x2000, $0x38;
	[tilespmem:$0x14000] =	vst v63  }
0x9a: {  	_ =	swait.ge [sflag:s1], $0x2000  }
0x9b: {  	[sflag:s1] =	ssyncset.done $0x0  }
0x9c: {  	[sflag:s1] =	ssyncadd.s32 $0xFFFFE000  }
0x9d: {  	[tilespmem:s2], [sflag:$0x2] =	stream.linear.gather [spmem:s22], $0x800, $0x38;
	[tilespmem:$0x14000] =	vst v63  }
0x9e: {  	_ =	swait.ge [sflag:s1], $0x800  }
0x9f: {  	[sflag:s1] =	ssyncset.done $0x0  }
0xa0: {  	s14 =	rddreg [dreg:$0xc];
	[sflag:s1] =	ssyncadd.s32 $0xFFFFF800  }
0xa1: {  	[hbm4b:s14+s6] =	stream.linear.scatter [tilespmem:s2], [sflag:$0x2], $0x800, $0x38;
	[tilespmem:$0x14000] =	vst v63  }
0xa2: {  	_ =	swait.ge [sflag:s1], $0x800  }
0xa3: {  	[sflag:s1] =	ssyncset.done $0x0  }
0xa4: {  	[sflag:s1] =	ssyncadd.s32 $0xFFFFF800  }
0xa5: {  	[tilespmem:s0], [sflag:$0x2] =	stream.linear.gather [spmem:s23], $0x2000, $0x38;
	[tilespmem:$0x14000] =	vst v63  }
0xa6: {  	_ =	swait.ge [sflag:s1], $0x2000  }
0xa7: {  	[sflag:s1] =	ssyncset.done $0x0  }
0xa8: {  	s11 =	rddreg [dreg:$0x8];
	[sflag:s1] =	ssyncadd.s32 $0xFFFFE000  }
0xa9: {  	[hbm4b:s11+s6] =	stream.linear.scatter [tilespmem:s0], [sflag:$0x2], $0x2000, $0x38;
	[tilespmem:$0x14000] =	vst v63  }
0xaa: {  	_ =	swait.ge [sflag:s1], $0x2000  }
0xab: {  	[sflag:s1] =	ssyncset.done $0x0  }
0xac: {  	[sflag:s1] =	ssyncadd.s32 $0xFFFFE000  }
0xad: {  	[tilespmem:s2], [sflag:$0x2] =	stream.linear.gather [spmem:s24], $0x800, $0x38;
	[tilespmem:$0x14000] =	vst v63  }
0xae: {  	_ =	swait.ge [sflag:s1], $0x800  }
0xaf: {  	[sflag:s1] =	ssyncset.done $0x0  }
0xb0: {  	s12 =	rddreg [dreg:$0xd];
	[sflag:s1] =	ssyncadd.s32 $0xFFFFF800  }
0xb1: {  	[hbm4b:s12+s6] =	stream.linear.scatter [tilespmem:s2], [sflag:$0x2], $0x800, $0x38;
	[tilespmem:$0x14000] =	vst v63  }
0xb2: {  	_ =	swait.ge [sflag:s1], $0x800  }
0xb3: {  	[sflag:s1] =	ssyncset.done $0x0  }
0xb4: {  	[sflag:s1] =	ssyncadd.s32 $0xFFFFF800  }
0xb5: {  	[tilespmem:s0], [sflag:$0x2] =	stream.linear.gather [spmem:s25], $0x2000, $0x38;
	[tilespmem:$0x14000] =	vst v63  }
0xb6: {  	_ =	swait.ge [sflag:s1], $0x2000  }
0xb7: {  	[sflag:s1] =	ssyncset.done $0x0  }
0xb8: {  	s13 =	rddreg [dreg:$0x9];
	[sflag:s1] =	ssyncadd.s32 $0xFFFFE000  }
0xb9: {  	[hbm4b:s13+s6] =	stream.linear.scatter [tilespmem:s0], [sflag:$0x2], $0x2000, $0x38;
	[tilespmem:$0x14000] =	vst v63  }
0xba: {  	_ =	swait.ge [sflag:s1], $0x2000  }
0xbb: {  	[sflag:s1] =	ssyncset.done $0x0  }
0xbc: {  	[sflag:s1] =	ssyncadd.s32 $0xFFFFE000  }
0xbd: {  	[tilespmem:s2], [sflag:$0x2] =	stream.linear.gather [spmem:s26], $0x800, $0x38;
	[tilespmem:$0x14000] =	vst v63  }
0xbe: {  	_ =	swait.ge [sflag:s1], $0x800  }
0xbf: {  	[sflag:s1] =	ssyncset.done $0x0  }
0xc0: {  	[sflag:s1] =	ssyncadd.s32 $0xFFFFF800  }
0xc1: {  	[hbm4b:s15+s6] =	stream.linear.scatter [tilespmem:s2], [sflag:$0x2], $0x800, $0x38;
	[tilespmem:$0x14000] =	vst v63  }
0xc2: {  	_ =	swait.ge [sflag:s1], $0x800  }
0xc3: {  	[sflag:s1] =	ssyncset.done $0x0  }
0xc4: {  	[sflag:s1] =	ssyncadd.s32 $0xFFFFF800  }
0xc5: {  	[tilespmem:s0], [sflag:$0x2] =	stream.linear.gather [spmem:s28], $0x2000, $0x38;
	[tilespmem:$0x14000] =	vst v63  }
0xc6: {  	_ =	swait.ge [sflag:s1], $0x2000  }
0xc7: {  	[sflag:s1] =	ssyncset.done $0x0  }
0xc8: {  	s14 =	rddreg [dreg:$0xa];
	[sflag:s1] =	ssyncadd.s32 $0xFFFFE000  }
0xc9: {  	[hbm4b:s14+s6] =	stream.linear.scatter [tilespmem:s0], [sflag:$0x2], $0x2000, $0x38;
	[tilespmem:$0x14000] =	vst v63  }
0xca: {  	_ =	swait.ge [sflag:s1], $0x2000  }
0xcb: {  	[sflag:s1] =	ssyncset.done $0x0  }
0xcc: {  	[sflag:s1] =	ssyncadd.s32 $0xFFFFE000  }
0xcd: {  	[tilespmem:s2], [sflag:$0x2] =	stream.linear.gather [spmem:s29], $0x800, $0x38;
	[tilespmem:$0x14000] =	vst v63  }
0xce: {  	s9 =	sadd.s32 $0x1, s9;
	_ =	swait.ge [sflag:s1], $0x800  }
0xcf: {  	p0 =	sne.s32 s9, s3;
	[sflag:s1] =	ssyncset.done $0x0  }
.Ltmp1:
0xd0: {  	[sflag:s1] =	ssyncadd.s32 $0xFFFFF800;
	(pc) =	sbr.rel @p0 .LBB2_1-.Ltmp1, $4  }
0xd1: {  	[hbm4b:s16+s6] =	stream.linear.scatter [tilespmem:s2], [sflag:$0x2], $0x800, $0x38;
	[tilespmem:$0x14000] =	vst v63  }
0xd2: {  	_ =	swait.ge [sflag:s1], $0x800  }
0xd3: {  	[sflag:s1] =	ssyncset.done $0x0  }
0xd4: {  	[sflag:s1] =	ssyncadd.s32 $0xFFFFF800  }
0xd5: {  	_ =	sfence.sel $0x180000  }
0xd6: {  	[bflag:$0x0] =	sbarrier.arrive $0xFFFF  }
0xd7: {  	_ =	strace $0x90000047  }
0xd8: {  	s0 =	stileid.u32;
	[bflag:$0x2] =	sbarrier.arrive $0xFFFF  }
0xd9: {  	p0 =	sne.s32 s0, $0x0;
	s0 =	rddreg [dreg:$0x5]  }
0xda: {  	s0 =	sadd.s32 @!p0 $0x100000, s0  }
0xdb: {  	[sflag:s0] =	ssyncadd.tile.s32 @!p0 $0x1;
	_ =	shalt  }
.Lfunc_end2:
_tile_overlayer_lowered:
.L_overlay_start_2:
0xdc: {  	(tag) =	ssettag $0x2  }
0xdd: {  	s0 =	rddreg [dreg:$0x0];
	s2 =	stileid.u32  }
0xde: {  	s1 =	rddreg [dreg:$0x1];
	p0 =	sne.s32 s2, $0x0  }
0xdf: {  	s3 =	rddreg [dreg:$0x2];
	[bflag:$0x3] =	sbarrier.arrive $0xFFFF;
	s2 =	simm.s32 @!p0 $0x1C02  }
0xe0: {  	[timem:s3], [sflag:s2] =	dma.local @!p0 [hbm:s0], s1  }
0xe1: {  	s0 =	simm.s32 @!p0 $0x2  }
0xe2: {  	_ =	swait.ge @!p0 [sflag:s0], s1  }
0xe3: {  	s1 =	ssub.s32 @!p0 $0x0, s1;
	[sflag:s0] =	ssyncset.done @!p0 $0x0  }
0xe4: {  	[sflag:s0] =	ssyncadd.s32 @!p0 s1  }
0xe5: {  	[bflag:$0x3] =	sbarrier.arrive $0xFFFF  }
0xe6: {  	_ =	shalt  }

</sc_bundles>
